<compile_context>
chip_gen: v7x
topology: tpu7x:2x2x1
jax: 0.10.2.dev20260603
libtpu: 0.0.44.dev20260713+nightly
codegen_flags: <defaults>
</compile_context>

<pallas_src>
import functools

import jax
import jax.numpy as jnp
from jax import lax
from jax.experimental import pallas as pl
from jax.experimental.pallas import tpu as pltpu

N_ROWS = 16384
N_CODES = 8192
DIM = 32

R_BLK = 2048
K_BLK = 4096
N_R = N_ROWS // R_BLK
N_K = N_CODES // K_BLK

_LOSS_SCALE = 1.5 / float(N_ROWS * DIM)
_BIG_I32 = 2**30


_SLAB = 128
_N_SLAB = K_BLK // _SLAB


def _tc_body(x_ref, wt2_ref, idx_ref, loss_ref, rmin_ref, ridx_ref):
    i = pl.program_id(0)
    k = pl.program_id(1)

    xb = x_ref[...]
    wt2 = wt2_ref[...]
    ab2 = lax.dot_general(xb, wt2, (((1,), (0,)), ((), ())),
                          preferred_element_type=jnp.float32)
    a = jnp.sum(xb * xb, axis=1, keepdims=True)
    b = 0.25 * jnp.sum(wt2 * wt2, axis=0, keepdims=True)
    t = a + b

    rmin = jnp.where(k == 0,
                     jnp.full((R_BLK, _SLAB), jnp.inf, jnp.float32),
                     rmin_ref[...])
    ridx = ridx_ref[...]
    for s in range(_N_SLAB):
        ds = t[:, s * _SLAB:(s + 1) * _SLAB] - ab2[:, s * _SLAB:(s + 1) * _SLAB]
        lt = ds < rmin
        rmin = jnp.where(lt, ds, rmin)
        ridx = jnp.where(lt, k * _N_SLAB + s, ridx)
    rmin_ref[...] = rmin
    ridx_ref[...] = ridx

    @pl.when(k == N_K - 1)
    def _():
        rmin = rmin_ref[...]
        rowmin = jnp.min(rmin, axis=1, keepdims=True)
        lane = lax.broadcasted_iota(jnp.int32, (R_BLK, _SLAB), 1)
        jmat = ridx_ref[...] * _SLAB + lane
        cidx = jnp.min(jnp.where(rmin == rowmin, jmat, _BIG_I32),
                       axis=1, keepdims=True)
        idx_ref[0] = cidx
        partial = jnp.sum(rowmin)

        @pl.when(i == 0)
        def _():
            loss_ref[0, 0] = partial

        @pl.when(i > 0)
        def _():
            loss_ref[0, 0] = loss_ref[0, 0] + partial

        @pl.when(i == N_R - 1)
        def _():
            loss_ref[0, 0] = loss_ref[0, 0] * _LOSS_SCALE


@functools.lru_cache(maxsize=1)
def _build_tc():
    return pl.pallas_call(
        _tc_body,
        grid=(N_R, N_K),
        in_specs=[
            pl.BlockSpec((R_BLK, DIM), lambda i, k: (i, 0)),
            pl.BlockSpec((DIM, K_BLK), lambda i, k: (0, k)),
        ],
        out_specs=[
            pl.BlockSpec((1, R_BLK, 1), lambda i, k: (i, 0, 0)),
            pl.BlockSpec((1, 1), lambda i, k: (0, 0),
                         memory_space=pltpu.SMEM),
        ],
        out_shape=[
            jax.ShapeDtypeStruct((N_R, R_BLK, 1), jnp.int32),
            jax.ShapeDtypeStruct((1, 1), jnp.float32),
        ],
        scratch_shapes=[
            pltpu.VMEM((R_BLK, _SLAB), jnp.float32),
            pltpu.VMEM((R_BLK, _SLAB), jnp.int32),
        ],
        compiler_params=pltpu.CompilerParams(
            dimension_semantics=("arbitrary", "arbitrary"),
        ),
    )


@functools.lru_cache(maxsize=1)
def _build_sc_gather():
    from jax.experimental.pallas import tpu_sc as plsc

    info = plsc.get_sparse_core_info()
    nc, ns = info.num_cores, info.num_subcores
    nw = nc * ns
    b_per_w = N_ROWS // nw
    n_chunks = b_per_w // 128

    mesh = plsc.VectorSubcoreMesh(core_axis_name="c", subcore_axis_name="s")

    @functools.partial(
        pl.kernel,
        mesh=mesh,
        out_type=jax.ShapeDtypeStruct((N_ROWS, DIM), jnp.float32),
        scratch_types=[
            pltpu.VMEM((n_chunks, 128), jnp.int32),
            pltpu.VMEM((b_per_w, DIM), jnp.float32),
            pltpu.SemaphoreType.DMA,
        ],
        compiler_params=pltpu.CompilerParams(use_tc_tiling_on_sc=False),
    )
    def sc_gather(table_hbm, idx_hbm, out_hbm, idx_v, rows_v, sem):
        wid = lax.axis_index("s") * nc + lax.axis_index("c")
        base = wid * b_per_w
        pltpu.sync_copy(idx_hbm.at[wid], idx_v)
        copies = []
        for j in range(n_chunks):
            copies.append(pltpu.async_copy(
                table_hbm.at[idx_v.at[j]],
                rows_v.at[pl.ds(j * 128, 128)],
                sem))
        for c in copies:
            c.wait()
        pltpu.sync_copy(rows_v, out_hbm.at[pl.ds(base, b_per_w)])

    def run(table, idx_flat):
        return sc_gather(table, idx_flat.reshape(nw, n_chunks, 128))

    return run


def _gather(W, idx_flat):
    return _build_sc_gather()(W, idx_flat)


def kernel(x, W):
    bsz, seq, dim = x.shape
    xf = x.reshape(bsz * seq, dim)
    idx3, loss11 = _build_tc()(xf, W.T * 2.0)
    idx_flat = idx3.reshape(N_ROWS)
    q = _gather(W, idx_flat)
    out = (xf + (q - xf)).reshape(bsz, seq, dim)
    loss = loss11[0, 0]
    return (out, loss)

# --- scband reference (transcript-rebuilt; emitter-appended) ---
"""Pipeline reference for scband-codebook-85693187490208 (READ-ONLY COPY).

The authoritative reference and input builder live on the scoring server;
editing this copy changes nothing except your own understanding.
"""

import jax, jax.numpy as jnp
import numpy as np

NUM_EMBEDDINGS = 8192
EMBEDDING_DIM = 32

def setup_inputs(seed: int = 0) -> dict:
    key = jax.random.key(seed)
    k1, k2 = jax.random.split(key)
    x = jax.random.normal(k1, (16, 1024, EMBEDDING_DIM), dtype=jnp.float32)
    W = jax.random.uniform(k2, (NUM_EMBEDDINGS, EMBEDDING_DIM), dtype=jnp.float32,
                           minval=-1.0 / NUM_EMBEDDINGS, maxval=1.0 / NUM_EMBEDDINGS)
    return {"x": x, "W": W}

def reference(x, W):
    batch_size, seq_len, embd_dim = x.shape
    xf = x.reshape(batch_size * seq_len, embd_dim)
    a = jnp.sum(xf ** 2, axis=1, keepdims=True)
    b = jnp.sum(W ** 2, axis=1)[None, :]
    ab2 = jnp.matmul(xf, W.T)
    d = a + b - 2.0 * ab2
    indices = jnp.argmin(d, axis=1)
    q = jnp.take(W, indices, axis=0)
    loss = jnp.mean((jax.lax.stop_gradient(xf) - q) ** 2) + 0.5 * jnp.mean((xf - jax.lax.stop_gradient(q)) ** 2)
    out = xf + jax.lax.stop_gradient(q - xf)
    out = out.reshape(batch_size, seq_len, embd_dim)
    return (out, loss)

if __name__ == "__main__":
    import jax
    _d = setup_inputs()
    print(jax.jit(kernel)(*tuple(_d.values())))

</pallas_src>

<mosaic_0001>
#map = affine_map<(d0, d1) -> (0, 0)>
#map1 = affine_map<(d0, d1) -> (0, 0, 0)>
module attributes {stable_mosaic.version = 14 : i64} {
  func.func @sc_gather(%arg0: i32, %arg1: i32, %arg2: memref<8192x32xf32, #tpu.memory_space<hbm>>, %arg3: memref<32x4x128xi32, #tpu.memory_space<hbm>>, %arg4: memref<16384x32xf32, #tpu.memory_space<hbm>>, %arg5: memref<4x128xi32, #tpu.memory_space<vmem>>, %arg6: memref<512x32xf32, #tpu.memory_space<vmem>>, %arg7: memref<!tpu.dma_semaphore, #tpu.memory_space<semaphore_mem>>) attributes {dimension_semantics = [#tpu.dimension_semantics<core_parallel>, #tpu.dimension_semantics<subcore_parallel>], iteration_bounds = array<i64: 2, 16>, scalar_prefetch = 0 : i64, scratch_operands = 3 : i64, tpu.core_type = #tpu.core_type<sc_vector_subcore>, window_params = [{transform_indices = #map}, {transform_indices = #map1}, {transform_indices = #map}]} {
    %mul3A = arith.constant 2 : i32
    %mul3A_0 = arith.muli %arg1, %mul3A : i32
    %add3A = arith.addi %mul3A_0, %arg0 : i32
    %mul3A_1 = arith.constant 512 : i32
    %mul3A_2 = arith.muli %add3A, %mul3A_1 : i32
    "tpu.region"() ({
      %run_scoped3A = tpu.sem_alloc : memref<!tpu.dma_semaphore, #tpu.memory_space<semaphore_mem>>
      %dma_start3A_81 = arith.constant 0 : i32
      %dma_start3A_82 = arith.constant 0 : i32
      %dma_start3A_83 = tpu.memref_slice %arg3[%add3A, %dma_start3A_81, %dma_start3A_82] : memref<32x4x128xi32, #tpu.memory_space<hbm>> -> memref<1x4x128xi32, #tpu.memory_space<hbm>>
      %dma_start3A_84 = tpu.memref_squeeze %dma_start3A_83 : memref<1x4x128xi32, #tpu.memory_space<hbm>> -> memref<4x128xi32, #tpu.memory_space<hbm>>
      %dma_start3A_85 = arith.constant 0 : i32
      %dma_start3A_86 = arith.constant 0 : i32
      %dma_start3A_87 = tpu.memref_slice %arg3[%add3A, %dma_start3A_85, %dma_start3A_86] : memref<32x4x128xi32, #tpu.memory_space<hbm>> -> memref<1x4x128xi32, #tpu.memory_space<hbm>>
      %dma_start3A_88 = tpu.memref_squeeze %dma_start3A_87 : memref<1x4x128xi32, #tpu.memory_space<hbm>> -> memref<4x128xi32, #tpu.memory_space<hbm>>
      tpu.enqueue_dma source(%dma_start3A_88 : memref<4x128xi32, #tpu.memory_space<hbm>>) target(%arg5 : memref<4x128xi32, #tpu.memory_space<vmem>>) target_semaphore(%run_scoped3A : memref<!tpu.dma_semaphore, #tpu.memory_space<semaphore_mem>>)
      %dma_wait3A_89 = arith.constant 0 : i32
      %dma_wait3A_90 = arith.constant 0 : i32
      %dma_wait3A_91 = tpu.memref_slice %arg3[%add3A, %dma_wait3A_89, %dma_wait3A_90] : memref<32x4x128xi32, #tpu.memory_space<hbm>> -> memref<1x4x128xi32, #tpu.memory_space<hbm>>
      %dma_wait3A_92 = tpu.memref_squeeze %dma_wait3A_91 : memref<1x4x128xi32, #tpu.memory_space<hbm>> -> memref<4x128xi32, #tpu.memory_space<hbm>>
      %dma_wait3A_93 = arith.constant 0 : i32
      %dma_wait3A_94 = arith.constant 0 : i32
      %dma_wait3A_95 = tpu.memref_slice %arg3[%add3A, %dma_wait3A_93, %dma_wait3A_94] : memref<32x4x128xi32, #tpu.memory_space<hbm>> -> memref<1x4x128xi32, #tpu.memory_space<hbm>>
      %dma_wait3A_96 = tpu.memref_squeeze %dma_wait3A_95 : memref<1x4x128xi32, #tpu.memory_space<hbm>> -> memref<4x128xi32, #tpu.memory_space<hbm>>
      tpu.wait_dma2 semaphore(%run_scoped3A : memref<!tpu.dma_semaphore, #tpu.memory_space<semaphore_mem>>) src(%dma_wait3A_96 : memref<4x128xi32, #tpu.memory_space<hbm>>) dst(%arg5 : memref<4x128xi32, #tpu.memory_space<vmem>>)
      tpu.yield
    }) : () -> ()
    %dma_start3A = arith.constant 0 : i32
    %dma_start3A_3 = arith.constant 0 : i32
    %dma_start3A_4 = arith.constant 0 : i32
    %dma_start3A_5 = tpu.memref_slice %arg6[%dma_start3A_3, %dma_start3A_4] : memref<512x32xf32, #tpu.memory_space<vmem>> -> memref<128x32xf32, #tpu.memory_space<vmem>>
    %dma_start3A_6 = arith.constant 0 : i32
    %dma_start3A_7 = tpu.memref_slice %arg5[%dma_start3A, %dma_start3A_6] : memref<4x128xi32, #tpu.memory_space<vmem>> -> memref<1x128xi32, #tpu.memory_space<vmem>>
    %dma_start3A_8 = tpu.memref_squeeze %dma_start3A_7 : memref<1x128xi32, #tpu.memory_space<vmem>> -> memref<128xi32, #tpu.memory_space<vmem>>
    %dma_start3A_9 = arith.constant 0 : i32
    %dma_start3A_10 = arith.constant 0 : i32
    %dma_start3A_11 = tpu.memref_slice %arg2[%dma_start3A_9, %dma_start3A_10] : memref<8192x32xf32, #tpu.memory_space<hbm>> -> memref<8192x32xf32, #tpu.memory_space<hbm>>
    tpu.enqueue_indirect_dma source(%dma_start3A_11 : memref<8192x32xf32, #tpu.memory_space<hbm>>) target(%dma_start3A_5 : memref<128x32xf32, #tpu.memory_space<vmem>>) offsets(%dma_start3A_8 : memref<128xi32, #tpu.memory_space<vmem>>) semaphore(%arg7 : memref<!tpu.dma_semaphore, #tpu.memory_space<semaphore_mem>>)
    %dma_start3A_12 = arith.constant 1 : i32
    %dma_start3A_13 = arith.constant 128 : i32
    %dma_start3A_14 = arith.constant 0 : i32
    %dma_start3A_15 = tpu.memref_slice %arg6[%dma_start3A_13, %dma_start3A_14] : memref<512x32xf32, #tpu.memory_space<vmem>> -> memref<128x32xf32, #tpu.memory_space<vmem>>
    %dma_start3A_16 = arith.constant 0 : i32
    %dma_start3A_17 = tpu.memref_slice %arg5[%dma_start3A_12, %dma_start3A_16] : memref<4x128xi32, #tpu.memory_space<vmem>> -> memref<1x128xi32, #tpu.memory_space<vmem>>
    %dma_start3A_18 = tpu.memref_squeeze %dma_start3A_17 : memref<1x128xi32, #tpu.memory_space<vmem>> -> memref<128xi32, #tpu.memory_space<vmem>>
    %dma_start3A_19 = arith.constant 0 : i32
    %dma_start3A_20 = arith.constant 0 : i32
    %dma_start3A_21 = tpu.memref_slice %arg2[%dma_start3A_19, %dma_start3A_20] : memref<8192x32xf32, #tpu.memory_space<hbm>> -> memref<8192x32xf32, #tpu.memory_space<hbm>>
    tpu.enqueue_indirect_dma source(%dma_start3A_21 : memref<8192x32xf32, #tpu.memory_space<hbm>>) target(%dma_start3A_15 : memref<128x32xf32, #tpu.memory_space<vmem>>) offsets(%dma_start3A_18 : memref<128xi32, #tpu.memory_space<vmem>>) semaphore(%arg7 : memref<!tpu.dma_semaphore, #tpu.memory_space<semaphore_mem>>)
    %dma_start3A_22 = arith.constant 2 : i32
    %dma_start3A_23 = arith.constant 256 : i32
    %dma_start3A_24 = arith.constant 0 : i32
    %dma_start3A_25 = tpu.memref_slice %arg6[%dma_start3A_23, %dma_start3A_24] : memref<512x32xf32, #tpu.memory_space<vmem>> -> memref<128x32xf32, #tpu.memory_space<vmem>>
    %dma_start3A_26 = arith.constant 0 : i32
    %dma_start3A_27 = tpu.memref_slice %arg5[%dma_start3A_22, %dma_start3A_26] : memref<4x128xi32, #tpu.memory_space<vmem>> -> memref<1x128xi32, #tpu.memory_space<vmem>>
    %dma_start3A_28 = tpu.memref_squeeze %dma_start3A_27 : memref<1x128xi32, #tpu.memory_space<vmem>> -> memref<128xi32, #tpu.memory_space<vmem>>
    %dma_start3A_29 = arith.constant 0 : i32
    %dma_start3A_30 = arith.constant 0 : i32
    %dma_start3A_31 = tpu.memref_slice %arg2[%dma_start3A_29, %dma_start3A_30] : memref<8192x32xf32, #tpu.memory_space<hbm>> -> memref<8192x32xf32, #tpu.memory_space<hbm>>
    tpu.enqueue_indirect_dma source(%dma_start3A_31 : memref<8192x32xf32, #tpu.memory_space<hbm>>) target(%dma_start3A_25 : memref<128x32xf32, #tpu.memory_space<vmem>>) offsets(%dma_start3A_28 : memref<128xi32, #tpu.memory_space<vmem>>) semaphore(%arg7 : memref<!tpu.dma_semaphore, #tpu.memory_space<semaphore_mem>>)
    %dma_start3A_32 = arith.constant 3 : i32
    %dma_start3A_33 = arith.constant 384 : i32
    %dma_start3A_34 = arith.constant 0 : i32
    %dma_start3A_35 = tpu.memref_slice %arg6[%dma_start3A_33, %dma_start3A_34] : memref<512x32xf32, #tpu.memory_space<vmem>> -> memref<128x32xf32, #tpu.memory_space<vmem>>
    %dma_start3A_36 = arith.constant 0 : i32
    %dma_start3A_37 = tpu.memref_slice %arg5[%dma_start3A_32, %dma_start3A_36] : memref<4x128xi32, #tpu.memory_space<vmem>> -> memref<1x128xi32, #tpu.memory_space<vmem>>
    %dma_start3A_38 = tpu.memref_squeeze %dma_start3A_37 : memref<1x128xi32, #tpu.memory_space<vmem>> -> memref<128xi32, #tpu.memory_space<vmem>>
    %dma_start3A_39 = arith.constant 0 : i32
    %dma_start3A_40 = arith.constant 0 : i32
    %dma_start3A_41 = tpu.memref_slice %arg2[%dma_start3A_39, %dma_start3A_40] : memref<8192x32xf32, #tpu.memory_space<hbm>> -> memref<8192x32xf32, #tpu.memory_space<hbm>>
    tpu.enqueue_indirect_dma source(%dma_start3A_41 : memref<8192x32xf32, #tpu.memory_space<hbm>>) target(%dma_start3A_35 : memref<128x32xf32, #tpu.memory_space<vmem>>) offsets(%dma_start3A_38 : memref<128xi32, #tpu.memory_space<vmem>>) semaphore(%arg7 : memref<!tpu.dma_semaphore, #tpu.memory_space<semaphore_mem>>)
    %dma_wait3A = arith.constant 0 : i32
    %dma_wait3A_42 = arith.constant 0 : i32
    %dma_wait3A_43 = arith.constant 0 : i32
    %dma_wait3A_44 = tpu.memref_slice %arg6[%dma_wait3A_42, %dma_wait3A_43] : memref<512x32xf32, #tpu.memory_space<vmem>> -> memref<128x32xf32, #tpu.memory_space<vmem>>
    %dma_wait3A_45 = arith.constant 0 : i32
    %dma_wait3A_46 = tpu.memref_slice %arg5[%dma_wait3A, %dma_wait3A_45] : memref<4x128xi32, #tpu.memory_space<vmem>> -> memref<1x128xi32, #tpu.memory_space<vmem>>
    %dma_wait3A_47 = tpu.memref_squeeze %dma_wait3A_46 : memref<1x128xi32, #tpu.memory_space<vmem>> -> memref<128xi32, #tpu.memory_space<vmem>>
    %dma_wait3A_48 = arith.constant 0 : i32
    %dma_wait3A_49 = arith.constant 0 : i32
    %dma_wait3A_50 = tpu.memref_slice %arg2[%dma_wait3A_48, %dma_wait3A_49] : memref<8192x32xf32, #tpu.memory_space<hbm>> -> memref<8192x32xf32, #tpu.memory_space<hbm>>
    tpu.wait_indirect_dma semaphore(%arg7 : memref<!tpu.dma_semaphore, #tpu.memory_space<semaphore_mem>>) src(%dma_wait3A_50 : memref<8192x32xf32, #tpu.memory_space<hbm>>) dst(%dma_wait3A_44 : memref<128x32xf32, #tpu.memory_space<vmem>>)
    %dma_wait3A_51 = arith.constant 1 : i32
    %dma_wait3A_52 = arith.constant 128 : i32
    %dma_wait3A_53 = arith.constant 0 : i32
    %dma_wait3A_54 = tpu.memref_slice %arg6[%dma_wait3A_52, %dma_wait3A_53] : memref<512x32xf32, #tpu.memory_space<vmem>> -> memref<128x32xf32, #tpu.memory_space<vmem>>
    %dma_wait3A_55 = arith.constant 0 : i32
    %dma_wait3A_56 = tpu.memref_slice %arg5[%dma_wait3A_51, %dma_wait3A_55] : memref<4x128xi32, #tpu.memory_space<vmem>> -> memref<1x128xi32, #tpu.memory_space<vmem>>
    %dma_wait3A_57 = tpu.memref_squeeze %dma_wait3A_56 : memref<1x128xi32, #tpu.memory_space<vmem>> -> memref<128xi32, #tpu.memory_space<vmem>>
    %dma_wait3A_58 = arith.constant 0 : i32
    %dma_wait3A_59 = arith.constant 0 : i32
    %dma_wait3A_60 = tpu.memref_slice %arg2[%dma_wait3A_58, %dma_wait3A_59] : memref<8192x32xf32, #tpu.memory_space<hbm>> -> memref<8192x32xf32, #tpu.memory_space<hbm>>
    tpu.wait_indirect_dma semaphore(%arg7 : memref<!tpu.dma_semaphore, #tpu.memory_space<semaphore_mem>>) src(%dma_wait3A_60 : memref<8192x32xf32, #tpu.memory_space<hbm>>) dst(%dma_wait3A_54 : memref<128x32xf32, #tpu.memory_space<vmem>>)
    %dma_wait3A_61 = arith.constant 2 : i32
    %dma_wait3A_62 = arith.constant 256 : i32
    %dma_wait3A_63 = arith.constant 0 : i32
    %dma_wait3A_64 = tpu.memref_slice %arg6[%dma_wait3A_62, %dma_wait3A_63] : memref<512x32xf32, #tpu.memory_space<vmem>> -> memref<128x32xf32, #tpu.memory_space<vmem>>
    %dma_wait3A_65 = arith.constant 0 : i32
    %dma_wait3A_66 = tpu.memref_slice %arg5[%dma_wait3A_61, %dma_wait3A_65] : memref<4x128xi32, #tpu.memory_space<vmem>> -> memref<1x128xi32, #tpu.memory_space<vmem>>
    %dma_wait3A_67 = tpu.memref_squeeze %dma_wait3A_66 : memref<1x128xi32, #tpu.memory_space<vmem>> -> memref<128xi32, #tpu.memory_space<vmem>>
    %dma_wait3A_68 = arith.constant 0 : i32
    %dma_wait3A_69 = arith.constant 0 : i32
    %dma_wait3A_70 = tpu.memref_slice %arg2[%dma_wait3A_68, %dma_wait3A_69] : memref<8192x32xf32, #tpu.memory_space<hbm>> -> memref<8192x32xf32, #tpu.memory_space<hbm>>
    tpu.wait_indirect_dma semaphore(%arg7 : memref<!tpu.dma_semaphore, #tpu.memory_space<semaphore_mem>>) src(%dma_wait3A_70 : memref<8192x32xf32, #tpu.memory_space<hbm>>) dst(%dma_wait3A_64 : memref<128x32xf32, #tpu.memory_space<vmem>>)
    %dma_wait3A_71 = arith.constant 3 : i32
    %dma_wait3A_72 = arith.constant 384 : i32
    %dma_wait3A_73 = arith.constant 0 : i32
    %dma_wait3A_74 = tpu.memref_slice %arg6[%dma_wait3A_72, %dma_wait3A_73] : memref<512x32xf32, #tpu.memory_space<vmem>> -> memref<128x32xf32, #tpu.memory_space<vmem>>
    %dma_wait3A_75 = arith.constant 0 : i32
    %dma_wait3A_76 = tpu.memref_slice %arg5[%dma_wait3A_71, %dma_wait3A_75] : memref<4x128xi32, #tpu.memory_space<vmem>> -> memref<1x128xi32, #tpu.memory_space<vmem>>
    %dma_wait3A_77 = tpu.memref_squeeze %dma_wait3A_76 : memref<1x128xi32, #tpu.memory_space<vmem>> -> memref<128xi32, #tpu.memory_space<vmem>>
    %dma_wait3A_78 = arith.constant 0 : i32
    %dma_wait3A_79 = arith.constant 0 : i32
    %dma_wait3A_80 = tpu.memref_slice %arg2[%dma_wait3A_78, %dma_wait3A_79] : memref<8192x32xf32, #tpu.memory_space<hbm>> -> memref<8192x32xf32, #tpu.memory_space<hbm>>
    tpu.wait_indirect_dma semaphore(%arg7 : memref<!tpu.dma_semaphore, #tpu.memory_space<semaphore_mem>>) src(%dma_wait3A_80 : memref<8192x32xf32, #tpu.memory_space<hbm>>) dst(%dma_wait3A_74 : memref<128x32xf32, #tpu.memory_space<vmem>>)
    "tpu.region"() ({
      %run_scoped3A = tpu.sem_alloc : memref<!tpu.dma_semaphore, #tpu.memory_space<semaphore_mem>>
      %dma_start3A_81 = arith.constant 0 : i32
      %dma_start3A_82 = tpu.memref_slice %arg4[%mul3A_2, %dma_start3A_81] : memref<16384x32xf32, #tpu.memory_space<hbm>> -> memref<512x32xf32, #tpu.memory_space<hbm>>
      %dma_start3A_83 = arith.constant 0 : i32
      %dma_start3A_84 = tpu.memref_slice %arg4[%mul3A_2, %dma_start3A_83] : memref<16384x32xf32, #tpu.memory_space<hbm>> -> memref<512x32xf32, #tpu.memory_space<hbm>>
      tpu.enqueue_dma source(%arg6 : memref<512x32xf32, #tpu.memory_space<vmem>>) target(%dma_start3A_84 : memref<512x32xf32, #tpu.memory_space<hbm>>) target_semaphore(%run_scoped3A : memref<!tpu.dma_semaphore, #tpu.memory_space<semaphore_mem>>)
      %dma_wait3A_85 = arith.constant 0 : i32
      %dma_wait3A_86 = tpu.memref_slice %arg4[%mul3A_2, %dma_wait3A_85] : memref<16384x32xf32, #tpu.memory_space<hbm>> -> memref<512x32xf32, #tpu.memory_space<hbm>>
      %dma_wait3A_87 = arith.constant 0 : i32
      %dma_wait3A_88 = tpu.memref_slice %arg4[%mul3A_2, %dma_wait3A_87] : memref<16384x32xf32, #tpu.memory_space<hbm>> -> memref<512x32xf32, #tpu.memory_space<hbm>>
      tpu.wait_dma2 semaphore(%run_scoped3A : memref<!tpu.dma_semaphore, #tpu.memory_space<semaphore_mem>>) src(%arg6 : memref<512x32xf32, #tpu.memory_space<vmem>>) dst(%dma_wait3A_88 : memref<512x32xf32, #tpu.memory_space<hbm>>)
      tpu.yield
    }) : () -> ()
    return
  }
}

module attributes {stable_mosaic.version = 14 : i64} {
  func.func @_tc_body(%arg0: i32, %arg1: i32, %arg2: memref<2048x32xf32, #tpu.memory_space<vmem>>, %arg3: memref<32x4096xf32, #tpu.memory_space<vmem>>, %arg4: memref<1x2048x1xi32, #tpu.memory_space<vmem>>, %arg5: memref<1x1xf32, #tpu.memory_space<smem>>, %arg6: memref<2048x128xf32, #tpu.memory_space<vmem>>, %arg7: memref<2048x128xi32, #tpu.memory_space<vmem>>) attributes {dimension_semantics = [#tpu.dimension_semantics<arbitrary>, #tpu.dimension_semantics<arbitrary>], iteration_bounds = array<i64: 8, 2>, scalar_prefetch = 0 : i64, scratch_operands = 2 : i64, tpu.core_type = #tpu.core_type<tc>, window_params = [{transform_indices = @transform_0, window_bounds = array<i64: 2048, 32>}, {transform_indices = @transform_1, window_bounds = array<i64: 32, 4096>}, {transform_indices = @transform_2, window_bounds = array<i64: 1, 2048, 1>}, {transform_indices = @transform_3, window_bounds = array<i64: 1, 1>}]} {
    %get3A = arith.constant 0 : index
    %get3A_0 = arith.constant 0 : index
    %get3A_1 = vector.load %arg2[%get3A, %get3A_0] : memref<2048x32xf32, #tpu.memory_space<vmem>>, vector<2048x32xf32>
    %get3A_2 = arith.constant 0 : index
    %get3A_3 = arith.constant 0 : index
    %get3A_4 = vector.load %arg3[%get3A_2, %get3A_3] : memref<32x4096xf32, #tpu.memory_space<vmem>>, vector<32x4096xf32>
    %dot_general3A = arith.constant dense<0.000000e+00> : vector<2048x4096xf32>
    %dot_general3A_5 = tpu.matmul %get3A_1, %get3A_4, %dot_general3A {dimension_numbers = #tpu.dot_dimension_numbers<[1], [0], [0], [1], [0, 0, 1, 1], [], []>, transpose_lhs_hint = false} : vector<2048x32xf32>, vector<32x4096xf32>, vector<2048x4096xf32> -> vector<2048x4096xf32>
    %mul3A = arith.mulf %get3A_1, %get3A_1 : vector<2048x32xf32>
    %reduce_sum3A = arith.constant dense<0.000000e+00> : vector<2048xf32>
    %reduce_sum3A_6 = vector.multi_reduction <add>, %mul3A, %reduce_sum3A [1] : vector<2048x32xf32> to vector<2048xf32>
    %broadcast_in_dim3A = vector.shape_cast %reduce_sum3A_6 : vector<2048xf32> to vector<2048x1xf32>
    %mul3A_7 = arith.mulf %get3A_4, %get3A_4 : vector<32x4096xf32>
    %reduce_sum3A_8 = arith.constant dense<0.000000e+00> : vector<4096xf32>
    %reduce_sum3A_9 = vector.multi_reduction <add>, %mul3A_7, %reduce_sum3A_8 [0] : vector<32x4096xf32> to vector<4096xf32>
    %broadcast_in_dim3A_10 = vector.shape_cast %reduce_sum3A_9 : vector<4096xf32> to vector<1x4096xf32>
    %mul3A_11 = arith.constant 2.500000e-01 : f32
    %mul3A_12 = vector.broadcast %mul3A_11 : f32 to vector<1x4096xf32>
    %mul3A_13 = arith.mulf %mul3A_12, %broadcast_in_dim3A_10 : vector<1x4096xf32>
    %add3A = vector.broadcast %broadcast_in_dim3A : vector<2048x1xf32> to vector<2048x4096xf32>
    %add3A_14 = vector.broadcast %mul3A_13 : vector<1x4096xf32> to vector<2048x4096xf32>
    %add3A_15 = arith.addf %add3A, %add3A_14 : vector<2048x4096xf32>
    %eq3A = arith.constant 0 : i32
    %eq3A_16 = arith.cmpi eq, %arg1, %eq3A : i32
    %broadcast_in_dim3A_17 = arith.constant 0x7F800000 : f32
    %broadcast_in_dim3A_18 = vector.broadcast %broadcast_in_dim3A_17 : f32 to vector<2048x128xf32>
    %get3A_19 = arith.constant 0 : index
    %get3A_20 = arith.constant 0 : index
    %get3A_21 = vector.load %arg6[%get3A_19, %get3A_20] : memref<2048x128xf32, #tpu.memory_space<vmem>>, vector<2048x128xf32>
    %select_n3A = arith.select %eq3A_16, %broadcast_in_dim3A_18, %get3A_21 : vector<2048x128xf32>
    %get3A_22 = arith.constant 0 : index
    %get3A_23 = arith.constant 0 : index
    %get3A_24 = vector.load %arg7[%get3A_22, %get3A_23] : memref<2048x128xi32, #tpu.memory_space<vmem>>, vector<2048x128xi32>
    %slice3A = vector.extract_strided_slice %add3A_15 {offsets = [0, 0], sizes = [2048, 128], strides = [1, 1]} : vector<2048x4096xf32> to vector<2048x128xf32>
    %slice3A_25 = vector.extract_strided_slice %dot_general3A_5 {offsets = [0, 0], sizes = [2048, 128], strides = [1, 1]} : vector<2048x4096xf32> to vector<2048x128xf32>
    %sub3A = arith.subf %slice3A, %slice3A_25 : vector<2048x128xf32>
    %lt3A = arith.cmpf olt, %sub3A, %select_n3A : vector<2048x128xf32>
    %select_n3A_26 = arith.select %lt3A, %sub3A, %select_n3A : vector<2048x128xi1>, vector<2048x128xf32>
    %mul3A_27 = arith.constant 32 : i32
    %mul3A_28 = arith.muli %arg1, %mul3A_27 : i32
    %add3A_29 = arith.constant 0 : i32
    %add3A_30 = arith.addi %mul3A_28, %add3A_29 : i32
    %broadcast_in_dim3A_31 = vector.broadcast %add3A_30 : i32 to vector<2048x128xi32>
    %select_n3A_32 = arith.select %lt3A, %broadcast_in_dim3A_31, %get3A_24 : vector<2048x128xi1>, vector<2048x128xi32>
    %slice3A_33 = vector.extract_strided_slice %add3A_15 {offsets = [0, 128], sizes = [2048, 128], strides = [1, 1]} : vector<2048x4096xf32> to vector<2048x128xf32>
    %slice3A_34 = vector.extract_strided_slice %dot_general3A_5 {offsets = [0, 128], sizes = [2048, 128], strides = [1, 1]} : vector<2048x4096xf32> to vector<2048x128xf32>
    %sub3A_35 = arith.subf %slice3A_33, %slice3A_34 : vector<2048x128xf32>
    %lt3A_36 = arith.cmpf olt, %sub3A_35, %select_n3A_26 : vector<2048x128xf32>
    %select_n3A_37 = arith.select %lt3A_36, %sub3A_35, %select_n3A_26 : vector<2048x128xi1>, vector<2048x128xf32>
    %mul3A_38 = arith.constant 32 : i32
    %mul3A_39 = arith.muli %arg1, %mul3A_38 : i32
    %add3A_40 = arith.constant 1 : i32
    %add3A_41 = arith.addi %mul3A_39, %add3A_40 : i32
    %broadcast_in_dim3A_42 = vector.broadcast %add3A_41 : i32 to vector<2048x128xi32>
    %select_n3A_43 = arith.select %lt3A_36, %broadcast_in_dim3A_42, %select_n3A_32 : vector<2048x128xi1>, vector<2048x128xi32>
    %slice3A_44 = vector.extract_strided_slice %add3A_15 {offsets = [0, 256], sizes = [2048, 128], strides = [1, 1]} : vector<2048x4096xf32> to vector<2048x128xf32>
    %slice3A_45 = vector.extract_strided_slice %dot_general3A_5 {offsets = [0, 256], sizes = [2048, 128], strides = [1, 1]} : vector<2048x4096xf32> to vector<2048x128xf32>
    %sub3A_46 = arith.subf %slice3A_44, %slice3A_45 : vector<2048x128xf32>
    %lt3A_47 = arith.cmpf olt, %sub3A_46, %select_n3A_37 : vector<2048x128xf32>
    %select_n3A_48 = arith.select %lt3A_47, %sub3A_46, %select_n3A_37 : vector<2048x128xi1>, vector<2048x128xf32>
    %mul3A_49 = arith.constant 32 : i32
    %mul3A_50 = arith.muli %arg1, %mul3A_49 : i32
    %add3A_51 = arith.constant 2 : i32
    %add3A_52 = arith.addi %mul3A_50, %add3A_51 : i32
    %broadcast_in_dim3A_53 = vector.broadcast %add3A_52 : i32 to vector<2048x128xi32>
    %select_n3A_54 = arith.select %lt3A_47, %broadcast_in_dim3A_53, %select_n3A_43 : vector<2048x128xi1>, vector<2048x128xi32>
    %slice3A_55 = vector.extract_strided_slice %add3A_15 {offsets = [0, 384], sizes = [2048, 128], strides = [1, 1]} : vector<2048x4096xf32> to vector<2048x128xf32>
    %slice3A_56 = vector.extract_strided_slice %dot_general3A_5 {offsets = [0, 384], sizes = [2048, 128], strides = [1, 1]} : vector<2048x4096xf32> to vector<2048x128xf32>
    %sub3A_57 = arith.subf %slice3A_55, %slice3A_56 : vector<2048x128xf32>
    %lt3A_58 = arith.cmpf olt, %sub3A_57, %select_n3A_48 : vector<2048x128xf32>
    %select_n3A_59 = arith.select %lt3A_58, %sub3A_57, %select_n3A_48 : vector<2048x128xi1>, vector<2048x128xf32>
    %mul3A_60 = arith.constant 32 : i32
    %mul3A_61 = arith.muli %arg1, %mul3A_60 : i32
    %add3A_62 = arith.constant 3 : i32
    %add3A_63 = arith.addi %mul3A_61, %add3A_62 : i32
    %broadcast_in_dim3A_64 = vector.broadcast %add3A_63 : i32 to vector<2048x128xi32>
    %select_n3A_65 = arith.select %lt3A_58, %broadcast_in_dim3A_64, %select_n3A_54 : vector<2048x128xi1>, vector<2048x128xi32>
    %slice3A_66 = vector.extract_strided_slice %add3A_15 {offsets = [0, 512], sizes = [2048, 128], strides = [1, 1]} : vector<2048x4096xf32> to vector<2048x128xf32>
    %slice3A_67 = vector.extract_strided_slice %dot_general3A_5 {offsets = [0, 512], sizes = [2048, 128], strides = [1, 1]} : vector<2048x4096xf32> to vector<2048x128xf32>
    %sub3A_68 = arith.subf %slice3A_66, %slice3A_67 : vector<2048x128xf32>
    %lt3A_69 = arith.cmpf olt, %sub3A_68, %select_n3A_59 : vector<2048x128xf32>
    %select_n3A_70 = arith.select %lt3A_69, %sub3A_68, %select_n3A_59 : vector<2048x128xi1>, vector<2048x128xf32>
    %mul3A_71 = arith.constant 32 : i32
    %mul3A_72 = arith.muli %arg1, %mul3A_71 : i32
    %add3A_73 = arith.constant 4 : i32
    %add3A_74 = arith.addi %mul3A_72, %add3A_73 : i32
    %broadcast_in_dim3A_75 = vector.broadcast %add3A_74 : i32 to vector<2048x128xi32>
    %select_n3A_76 = arith.select %lt3A_69, %broadcast_in_dim3A_75, %select_n3A_65 : vector<2048x128xi1>, vector<2048x128xi32>
    %slice3A_77 = vector.extract_strided_slice %add3A_15 {offsets = [0, 640], sizes = [2048, 128], strides = [1, 1]} : vector<2048x4096xf32> to vector<2048x128xf32>
    %slice3A_78 = vector.extract_strided_slice %dot_general3A_5 {offsets = [0, 640], sizes = [2048, 128], strides = [1, 1]} : vector<2048x4096xf32> to vector<2048x128xf32>
    %sub3A_79 = arith.subf %slice3A_77, %slice3A_78 : vector<2048x128xf32>
    %lt3A_80 = arith.cmpf olt, %sub3A_79, %select_n3A_70 : vector<2048x128xf32>
    %select_n3A_81 = arith.select %lt3A_80, %sub3A_79, %select_n3A_70 : vector<2048x128xi1>, vector<2048x128xf32>
    %mul3A_82 = arith.constant 32 : i32
    %mul3A_83 = arith.muli %arg1, %mul3A_82 : i32
    %add3A_84 = arith.constant 5 : i32
    %add3A_85 = arith.addi %mul3A_83, %add3A_84 : i32
    %broadcast_in_dim3A_86 = vector.broadcast %add3A_85 : i32 to vector<2048x128xi32>
    %select_n3A_87 = arith.select %lt3A_80, %broadcast_in_dim3A_86, %select_n3A_76 : vector<2048x128xi1>, vector<2048x128xi32>
    %slice3A_88 = vector.extract_strided_slice %add3A_15 {offsets = [0, 768], sizes = [2048, 128], strides = [1, 1]} : vector<2048x4096xf32> to vector<2048x128xf32>
    %slice3A_89 = vector.extract_strided_slice %dot_general3A_5 {offsets = [0, 768], sizes = [2048, 128], strides = [1, 1]} : vector<2048x4096xf32> to vector<2048x128xf32>
    %sub3A_90 = arith.subf %slice3A_88, %slice3A_89 : vector<2048x128xf32>
    %lt3A_91 = arith.cmpf olt, %sub3A_90, %select_n3A_81 : vector<2048x128xf32>
    %select_n3A_92 = arith.select %lt3A_91, %sub3A_90, %select_n3A_81 : vector<2048x128xi1>, vector<2048x128xf32>
    %mul3A_93 = arith.constant 32 : i32
    %mul3A_94 = arith.muli %arg1, %mul3A_93 : i32
    %add3A_95 = arith.constant 6 : i32
    %add3A_96 = arith.addi %mul3A_94, %add3A_95 : i32
    %broadcast_in_dim3A_97 = vector.broadcast %add3A_96 : i32 to vector<2048x128xi32>
    %select_n3A_98 = arith.select %lt3A_91, %broadcast_in_dim3A_97, %select_n3A_87 : vector<2048x128xi1>, vector<2048x128xi32>
    %slice3A_99 = vector.extract_strided_slice %add3A_15 {offsets = [0, 896], sizes = [2048, 128], strides = [1, 1]} : vector<2048x4096xf32> to vector<2048x128xf32>
    %slice3A_100 = vector.extract_strided_slice %dot_general3A_5 {offsets = [0, 896], sizes = [2048, 128], strides = [1, 1]} : vector<2048x4096xf32> to vector<2048x128xf32>
    %sub3A_101 = arith.subf %slice3A_99, %slice3A_100 : vector<2048x128xf32>
    %lt3A_102 = arith.cmpf olt, %sub3A_101, %select_n3A_92 : vector<2048x128xf32>
    %select_n3A_103 = arith.select %lt3A_102, %sub3A_101, %select_n3A_92 : vector<2048x128xi1>, vector<2048x128xf32>
    %mul3A_104 = arith.constant 32 : i32
    %mul3A_105 = arith.muli %arg1, %mul3A_104 : i32
    %add3A_106 = arith.constant 7 : i32
    %add3A_107 = arith.addi %mul3A_105, %add3A_106 : i32
    %broadcast_in_dim3A_108 = vector.broadcast %add3A_107 : i32 to vector<2048x128xi32>
    %select_n3A_109 = arith.select %lt3A_102, %broadcast_in_dim3A_108, %select_n3A_98 : vector<2048x128xi1>, vector<2048x128xi32>
    %slice3A_110 = vector.extract_strided_slice %add3A_15 {offsets = [0, 1024], sizes = [2048, 128], strides = [1, 1]} : vector<2048x4096xf32> to vector<2048x128xf32>
    %slice3A_111 = vector.extract_strided_slice %dot_general3A_5 {offsets = [0, 1024], sizes = [2048, 128], strides = [1, 1]} : vector<2048x4096xf32> to vector<2048x128xf32>
    %sub3A_112 = arith.subf %slice3A_110, %slice3A_111 : vector<2048x128xf32>
    %lt3A_113 = arith.cmpf olt, %sub3A_112, %select_n3A_103 : vector<2048x128xf32>
    %select_n3A_114 = arith.select %lt3A_113, %sub3A_112, %select_n3A_103 : vector<2048x128xi1>, vector<2048x128xf32>
    %mul3A_115 = arith.constant 32 : i32
    %mul3A_116 = arith.muli %arg1, %mul3A_115 : i32
    %add3A_117 = arith.constant 8 : i32
    %add3A_118 = arith.addi %mul3A_116, %add3A_117 : i32
    %broadcast_in_dim3A_119 = vector.broadcast %add3A_118 : i32 to vector<2048x128xi32>
    %select_n3A_120 = arith.select %lt3A_113, %broadcast_in_dim3A_119, %select_n3A_109 : vector<2048x128xi1>, vector<2048x128xi32>
    %slice3A_121 = vector.extract_strided_slice %add3A_15 {offsets = [0, 1152], sizes = [2048, 128], strides = [1, 1]} : vector<2048x4096xf32> to vector<2048x128xf32>
    %slice3A_122 = vector.extract_strided_slice %dot_general3A_5 {offsets = [0, 1152], sizes = [2048, 128], strides = [1, 1]} : vector<2048x4096xf32> to vector<2048x128xf32>
    %sub3A_123 = arith.subf %slice3A_121, %slice3A_122 : vector<2048x128xf32>
    %lt3A_124 = arith.cmpf olt, %sub3A_123, %select_n3A_114 : vector<2048x128xf32>
    %select_n3A_125 = arith.select %lt3A_124, %sub3A_123, %select_n3A_114 : vector<2048x128xi1>, vector<2048x128xf32>
    %mul3A_126 = arith.constant 32 : i32
    %mul3A_127 = arith.muli %arg1, %mul3A_126 : i32
    %add3A_128 = arith.constant 9 : i32
    %add3A_129 = arith.addi %mul3A_127, %add3A_128 : i32
    %broadcast_in_dim3A_130 = vector.broadcast %add3A_129 : i32 to vector<2048x128xi32>
    %select_n3A_131 = arith.select %lt3A_124, %broadcast_in_dim3A_130, %select_n3A_120 : vector<2048x128xi1>, vector<2048x128xi32>
    %slice3A_132 = vector.extract_strided_slice %add3A_15 {offsets = [0, 1280], sizes = [2048, 128], strides = [1, 1]} : vector<2048x4096xf32> to vector<2048x128xf32>
    %slice3A_133 = vector.extract_strided_slice %dot_general3A_5 {offsets = [0, 1280], sizes = [2048, 128], strides = [1, 1]} : vector<2048x4096xf32> to vector<2048x128xf32>
    %sub3A_134 = arith.subf %slice3A_132, %slice3A_133 : vector<2048x128xf32>
    %lt3A_135 = arith.cmpf olt, %sub3A_134, %select_n3A_125 : vector<2048x128xf32>
    %select_n3A_136 = arith.select %lt3A_135, %sub3A_134, %select_n3A_125 : vector<2048x128xi1>, vector<2048x128xf32>
    %mul3A_137 = arith.constant 32 : i32
    %mul3A_138 = arith.muli %arg1, %mul3A_137 : i32
    %add3A_139 = arith.constant 10 : i32
    %add3A_140 = arith.addi %mul3A_138, %add3A_139 : i32
    %broadcast_in_dim3A_141 = vector.broadcast %add3A_140 : i32 to vector<2048x128xi32>
    %select_n3A_142 = arith.select %lt3A_135, %broadcast_in_dim3A_141, %select_n3A_131 : vector<2048x128xi1>, vector<2048x128xi32>
    %slice3A_143 = vector.extract_strided_slice %add3A_15 {offsets = [0, 1408], sizes = [2048, 128], strides = [1, 1]} : vector<2048x4096xf32> to vector<2048x128xf32>
    %slice3A_144 = vector.extract_strided_slice %dot_general3A_5 {offsets = [0, 1408], sizes = [2048, 128], strides = [1, 1]} : vector<2048x4096xf32> to vector<2048x128xf32>
    %sub3A_145 = arith.subf %slice3A_143, %slice3A_144 : vector<2048x128xf32>
    %lt3A_146 = arith.cmpf olt, %sub3A_145, %select_n3A_136 : vector<2048x128xf32>
    %select_n3A_147 = arith.select %lt3A_146, %sub3A_145, %select_n3A_136 : vector<2048x128xi1>, vector<2048x128xf32>
    %mul3A_148 = arith.constant 32 : i32
    %mul3A_149 = arith.muli %arg1, %mul3A_148 : i32
    %add3A_150 = arith.constant 11 : i32
    %add3A_151 = arith.addi %mul3A_149, %add3A_150 : i32
    %broadcast_in_dim3A_152 = vector.broadcast %add3A_151 : i32 to vector<2048x128xi32>
    %select_n3A_153 = arith.select %lt3A_146, %broadcast_in_dim3A_152, %select_n3A_142 : vector<2048x128xi1>, vector<2048x128xi32>
    %slice3A_154 = vector.extract_strided_slice %add3A_15 {offsets = [0, 1536], sizes = [2048, 128], strides = [1, 1]} : vector<2048x4096xf32> to vector<2048x128xf32>
    %slice3A_155 = vector.extract_strided_slice %dot_general3A_5 {offsets = [0, 1536], sizes = [2048, 128], strides = [1, 1]} : vector<2048x4096xf32> to vector<2048x128xf32>
    %sub3A_156 = arith.subf %slice3A_154, %slice3A_155 : vector<2048x128xf32>
    %lt3A_157 = arith.cmpf olt, %sub3A_156, %select_n3A_147 : vector<2048x128xf32>
    %select_n3A_158 = arith.select %lt3A_157, %sub3A_156, %select_n3A_147 : vector<2048x128xi1>, vector<2048x128xf32>
    %mul3A_159 = arith.constant 32 : i32
    %mul3A_160 = arith.muli %arg1, %mul3A_159 : i32
    %add3A_161 = arith.constant 12 : i32
    %add3A_162 = arith.addi %mul3A_160, %add3A_161 : i32
    %broadcast_in_dim3A_163 = vector.broadcast %add3A_162 : i32 to vector<2048x128xi32>
    %select_n3A_164 = arith.select %lt3A_157, %broadcast_in_dim3A_163, %select_n3A_153 : vector<2048x128xi1>, vector<2048x128xi32>
    %slice3A_165 = vector.extract_strided_slice %add3A_15 {offsets = [0, 1664], sizes = [2048, 128], strides = [1, 1]} : vector<2048x4096xf32> to vector<2048x128xf32>
    %slice3A_166 = vector.extract_strided_slice %dot_general3A_5 {offsets = [0, 1664], sizes = [2048, 128], strides = [1, 1]} : vector<2048x4096xf32> to vector<2048x128xf32>
    %sub3A_167 = arith.subf %slice3A_165, %slice3A_166 : vector<2048x128xf32>
    %lt3A_168 = arith.cmpf olt, %sub3A_167, %select_n3A_158 : vector<2048x128xf32>
    %select_n3A_169 = arith.select %lt3A_168, %sub3A_167, %select_n3A_158 : vector<2048x128xi1>, vector<2048x128xf32>
    %mul3A_170 = arith.constant 32 : i32
    %mul3A_171 = arith.muli %arg1, %mul3A_170 : i32
    %add3A_172 = arith.constant 13 : i32
    %add3A_173 = arith.addi %mul3A_171, %add3A_172 : i32
    %broadcast_in_dim3A_174 = vector.broadcast %add3A_173 : i32 to vector<2048x128xi32>
    %select_n3A_175 = arith.select %lt3A_168, %broadcast_in_dim3A_174, %select_n3A_164 : vector<2048x128xi1>, vector<2048x128xi32>
    %slice3A_176 = vector.extract_strided_slice %add3A_15 {offsets = [0, 1792], sizes = [2048, 128], strides = [1, 1]} : vector<2048x4096xf32> to vector<2048x128xf32>
    %slice3A_177 = vector.extract_strided_slice %dot_general3A_5 {offsets = [0, 1792], sizes = [2048, 128], strides = [1, 1]} : vector<2048x4096xf32> to vector<2048x128xf32>
    %sub3A_178 = arith.subf %slice3A_176, %slice3A_177 : vector<2048x128xf32>
    %lt3A_179 = arith.cmpf olt, %sub3A_178, %select_n3A_169 : vector<2048x128xf32>
    %select_n3A_180 = arith.select %lt3A_179, %sub3A_178, %select_n3A_169 : vector<2048x128xi1>, vector<2048x128xf32>
    %mul3A_181 = arith.constant 32 : i32
    %mul3A_182 = arith.muli %arg1, %mul3A_181 : i32
    %add3A_183 = arith.constant 14 : i32
    %add3A_184 = arith.addi %mul3A_182, %add3A_183 : i32
    %broadcast_in_dim3A_185 = vector.broadcast %add3A_184 : i32 to vector<2048x128xi32>
    %select_n3A_186 = arith.select %lt3A_179, %broadcast_in_dim3A_185, %select_n3A_175 : vector<2048x128xi1>, vector<2048x128xi32>
    %slice3A_187 = vector.extract_strided_slice %add3A_15 {offsets = [0, 1920], sizes = [2048, 128], strides = [1, 1]} : vector<2048x4096xf32> to vector<2048x128xf32>
    %slice3A_188 = vector.extract_strided_slice %dot_general3A_5 {offsets = [0, 1920], sizes = [2048, 128], strides = [1, 1]} : vector<2048x4096xf32> to vector<2048x128xf32>
    %sub3A_189 = arith.subf %slice3A_187, %slice3A_188 : vector<2048x128xf32>
    %lt3A_190 = arith.cmpf olt, %sub3A_189, %select_n3A_180 : vector<2048x128xf32>
    %select_n3A_191 = arith.select %lt3A_190, %sub3A_189, %select_n3A_180 : vector<2048x128xi1>, vector<2048x128xf32>
    %mul3A_192 = arith.constant 32 : i32
    %mul3A_193 = arith.muli %arg1, %mul3A_192 : i32
    %add3A_194 = arith.constant 15 : i32
    %add3A_195 = arith.addi %mul3A_193, %add3A_194 : i32
    %broadcast_in_dim3A_196 = vector.broadcast %add3A_195 : i32 to vector<2048x128xi32>
    %select_n3A_197 = arith.select %lt3A_190, %broadcast_in_dim3A_196, %select_n3A_186 : vector<2048x128xi1>, vector<2048x128xi32>
    %slice3A_198 = vector.extract_strided_slice %add3A_15 {offsets = [0, 2048], sizes = [2048, 128], strides = [1, 1]} : vector<2048x4096xf32> to vector<2048x128xf32>
    %slice3A_199 = vector.extract_strided_slice %dot_general3A_5 {offsets = [0, 2048], sizes = [2048, 128], strides = [1, 1]} : vector<2048x4096xf32> to vector<2048x128xf32>
    %sub3A_200 = arith.subf %slice3A_198, %slice3A_199 : vector<2048x128xf32>
    %lt3A_201 = arith.cmpf olt, %sub3A_200, %select_n3A_191 : vector<2048x128xf32>
    %select_n3A_202 = arith.select %lt3A_201, %sub3A_200, %select_n3A_191 : vector<2048x128xi1>, vector<2048x128xf32>
    %mul3A_203 = arith.constant 32 : i32
    %mul3A_204 = arith.muli %arg1, %mul3A_203 : i32
    %add3A_205 = arith.constant 16 : i32
    %add3A_206 = arith.addi %mul3A_204, %add3A_205 : i32
    %broadcast_in_dim3A_207 = vector.broadcast %add3A_206 : i32 to vector<2048x128xi32>
    %select_n3A_208 = arith.select %lt3A_201, %broadcast_in_dim3A_207, %select_n3A_197 : vector<2048x128xi1>, vector<2048x128xi32>
    %slice3A_209 = vector.extract_strided_slice %add3A_15 {offsets = [0, 2176], sizes = [2048, 128], strides = [1, 1]} : vector<2048x4096xf32> to vector<2048x128xf32>
    %slice3A_210 = vector.extract_strided_slice %dot_general3A_5 {offsets = [0, 2176], sizes = [2048, 128], strides = [1, 1]} : vector<2048x4096xf32> to vector<2048x128xf32>
    %sub3A_211 = arith.subf %slice3A_209, %slice3A_210 : vector<2048x128xf32>
    %lt3A_212 = arith.cmpf olt, %sub3A_211, %select_n3A_202 : vector<2048x128xf32>
    %select_n3A_213 = arith.select %lt3A_212, %sub3A_211, %select_n3A_202 : vector<2048x128xi1>, vector<2048x128xf32>
    %mul3A_214 = arith.constant 32 : i32
    %mul3A_215 = arith.muli %arg1, %mul3A_214 : i32
    %add3A_216 = arith.constant 17 : i32
    %add3A_217 = arith.addi %mul3A_215, %add3A_216 : i32
    %broadcast_in_dim3A_218 = vector.broadcast %add3A_217 : i32 to vector<2048x128xi32>
    %select_n3A_219 = arith.select %lt3A_212, %broadcast_in_dim3A_218, %select_n3A_208 : vector<2048x128xi1>, vector<2048x128xi32>
    %slice3A_220 = vector.extract_strided_slice %add3A_15 {offsets = [0, 2304], sizes = [2048, 128], strides = [1, 1]} : vector<2048x4096xf32> to vector<2048x128xf32>
    %slice3A_221 = vector.extract_strided_slice %dot_general3A_5 {offsets = [0, 2304], sizes = [2048, 128], strides = [1, 1]} : vector<2048x4096xf32> to vector<2048x128xf32>
    %sub3A_222 = arith.subf %slice3A_220, %slice3A_221 : vector<2048x128xf32>
    %lt3A_223 = arith.cmpf olt, %sub3A_222, %select_n3A_213 : vector<2048x128xf32>
    %select_n3A_224 = arith.select %lt3A_223, %sub3A_222, %select_n3A_213 : vector<2048x128xi1>, vector<2048x128xf32>
    %mul3A_225 = arith.constant 32 : i32
    %mul3A_226 = arith.muli %arg1, %mul3A_225 : i32
    %add3A_227 = arith.constant 18 : i32
    %add3A_228 = arith.addi %mul3A_226, %add3A_227 : i32
    %broadcast_in_dim3A_229 = vector.broadcast %add3A_228 : i32 to vector<2048x128xi32>
    %select_n3A_230 = arith.select %lt3A_223, %broadcast_in_dim3A_229, %select_n3A_219 : vector<2048x128xi1>, vector<2048x128xi32>
    %slice3A_231 = vector.extract_strided_slice %add3A_15 {offsets = [0, 2432], sizes = [2048, 128], strides = [1, 1]} : vector<2048x4096xf32> to vector<2048x128xf32>
    %slice3A_232 = vector.extract_strided_slice %dot_general3A_5 {offsets = [0, 2432], sizes = [2048, 128], strides = [1, 1]} : vector<2048x4096xf32> to vector<2048x128xf32>
    %sub3A_233 = arith.subf %slice3A_231, %slice3A_232 : vector<2048x128xf32>
    %lt3A_234 = arith.cmpf olt, %sub3A_233, %select_n3A_224 : vector<2048x128xf32>
    %select_n3A_235 = arith.select %lt3A_234, %sub3A_233, %select_n3A_224 : vector<2048x128xi1>, vector<2048x128xf32>
    %mul3A_236 = arith.constant 32 : i32
    %mul3A_237 = arith.muli %arg1, %mul3A_236 : i32
    %add3A_238 = arith.constant 19 : i32
    %add3A_239 = arith.addi %mul3A_237, %add3A_238 : i32
    %broadcast_in_dim3A_240 = vector.broadcast %add3A_239 : i32 to vector<2048x128xi32>
    %select_n3A_241 = arith.select %lt3A_234, %broadcast_in_dim3A_240, %select_n3A_230 : vector<2048x128xi1>, vector<2048x128xi32>
    %slice3A_242 = vector.extract_strided_slice %add3A_15 {offsets = [0, 2560], sizes = [2048, 128], strides = [1, 1]} : vector<2048x4096xf32> to vector<2048x128xf32>
    %slice3A_243 = vector.extract_strided_slice %dot_general3A_5 {offsets = [0, 2560], sizes = [2048, 128], strides = [1, 1]} : vector<2048x4096xf32> to vector<2048x128xf32>
    %sub3A_244 = arith.subf %slice3A_242, %slice3A_243 : vector<2048x128xf32>
    %lt3A_245 = arith.cmpf olt, %sub3A_244, %select_n3A_235 : vector<2048x128xf32>
    %select_n3A_246 = arith.select %lt3A_245, %sub3A_244, %select_n3A_235 : vector<2048x128xi1>, vector<2048x128xf32>
    %mul3A_247 = arith.constant 32 : i32
    %mul3A_248 = arith.muli %arg1, %mul3A_247 : i32
    %add3A_249 = arith.constant 20 : i32
    %add3A_250 = arith.addi %mul3A_248, %add3A_249 : i32
    %broadcast_in_dim3A_251 = vector.broadcast %add3A_250 : i32 to vector<2048x128xi32>
    %select_n3A_252 = arith.select %lt3A_245, %broadcast_in_dim3A_251, %select_n3A_241 : vector<2048x128xi1>, vector<2048x128xi32>
    %slice3A_253 = vector.extract_strided_slice %add3A_15 {offsets = [0, 2688], sizes = [2048, 128], strides = [1, 1]} : vector<2048x4096xf32> to vector<2048x128xf32>
    %slice3A_254 = vector.extract_strided_slice %dot_general3A_5 {offsets = [0, 2688], sizes = [2048, 128], strides = [1, 1]} : vector<2048x4096xf32> to vector<2048x128xf32>
    %sub3A_255 = arith.subf %slice3A_253, %slice3A_254 : vector<2048x128xf32>
    %lt3A_256 = arith.cmpf olt, %sub3A_255, %select_n3A_246 : vector<2048x128xf32>
    %select_n3A_257 = arith.select %lt3A_256, %sub3A_255, %select_n3A_246 : vector<2048x128xi1>, vector<2048x128xf32>
    %mul3A_258 = arith.constant 32 : i32
    %mul3A_259 = arith.muli %arg1, %mul3A_258 : i32
    %add3A_260 = arith.constant 21 : i32
    %add3A_261 = arith.addi %mul3A_259, %add3A_260 : i32
    %broadcast_in_dim3A_262 = vector.broadcast %add3A_261 : i32 to vector<2048x128xi32>
    %select_n3A_263 = arith.select %lt3A_256, %broadcast_in_dim3A_262, %select_n3A_252 : vector<2048x128xi1>, vector<2048x128xi32>
    %slice3A_264 = vector.extract_strided_slice %add3A_15 {offsets = [0, 2816], sizes = [2048, 128], strides = [1, 1]} : vector<2048x4096xf32> to vector<2048x128xf32>
    %slice3A_265 = vector.extract_strided_slice %dot_general3A_5 {offsets = [0, 2816], sizes = [2048, 128], strides = [1, 1]} : vector<2048x4096xf32> to vector<2048x128xf32>
    %sub3A_266 = arith.subf %slice3A_264, %slice3A_265 : vector<2048x128xf32>
    %lt3A_267 = arith.cmpf olt, %sub3A_266, %select_n3A_257 : vector<2048x128xf32>
    %select_n3A_268 = arith.select %lt3A_267, %sub3A_266, %select_n3A_257 : vector<2048x128xi1>, vector<2048x128xf32>
    %mul3A_269 = arith.constant 32 : i32
    %mul3A_270 = arith.muli %arg1, %mul3A_269 : i32
    %add3A_271 = arith.constant 22 : i32
    %add3A_272 = arith.addi %mul3A_270, %add3A_271 : i32
    %broadcast_in_dim3A_273 = vector.broadcast %add3A_272 : i32 to vector<2048x128xi32>
    %select_n3A_274 = arith.select %lt3A_267, %broadcast_in_dim3A_273, %select_n3A_263 : vector<2048x128xi1>, vector<2048x128xi32>
    %slice3A_275 = vector.extract_strided_slice %add3A_15 {offsets = [0, 2944], sizes = [2048, 128], strides = [1, 1]} : vector<2048x4096xf32> to vector<2048x128xf32>
    %slice3A_276 = vector.extract_strided_slice %dot_general3A_5 {offsets = [0, 2944], sizes = [2048, 128], strides = [1, 1]} : vector<2048x4096xf32> to vector<2048x128xf32>
    %sub3A_277 = arith.subf %slice3A_275, %slice3A_276 : vector<2048x128xf32>
    %lt3A_278 = arith.cmpf olt, %sub3A_277, %select_n3A_268 : vector<2048x128xf32>
    %select_n3A_279 = arith.select %lt3A_278, %sub3A_277, %select_n3A_268 : vector<2048x128xi1>, vector<2048x128xf32>
    %mul3A_280 = arith.constant 32 : i32
    %mul3A_281 = arith.muli %arg1, %mul3A_280 : i32
    %add3A_282 = arith.constant 23 : i32
    %add3A_283 = arith.addi %mul3A_281, %add3A_282 : i32
    %broadcast_in_dim3A_284 = vector.broadcast %add3A_283 : i32 to vector<2048x128xi32>
    %select_n3A_285 = arith.select %lt3A_278, %broadcast_in_dim3A_284, %select_n3A_274 : vector<2048x128xi1>, vector<2048x128xi32>
    %slice3A_286 = vector.extract_strided_slice %add3A_15 {offsets = [0, 3072], sizes = [2048, 128], strides = [1, 1]} : vector<2048x4096xf32> to vector<2048x128xf32>
    %slice3A_287 = vector.extract_strided_slice %dot_general3A_5 {offsets = [0, 3072], sizes = [2048, 128], strides = [1, 1]} : vector<2048x4096xf32> to vector<2048x128xf32>
    %sub3A_288 = arith.subf %slice3A_286, %slice3A_287 : vector<2048x128xf32>
    %lt3A_289 = arith.cmpf olt, %sub3A_288, %select_n3A_279 : vector<2048x128xf32>
    %select_n3A_290 = arith.select %lt3A_289, %sub3A_288, %select_n3A_279 : vector<2048x128xi1>, vector<2048x128xf32>
    %mul3A_291 = arith.constant 32 : i32
    %mul3A_292 = arith.muli %arg1, %mul3A_291 : i32
    %add3A_293 = arith.constant 24 : i32
    %add3A_294 = arith.addi %mul3A_292, %add3A_293 : i32
    %broadcast_in_dim3A_295 = vector.broadcast %add3A_294 : i32 to vector<2048x128xi32>
    %select_n3A_296 = arith.select %lt3A_289, %broadcast_in_dim3A_295, %select_n3A_285 : vector<2048x128xi1>, vector<2048x128xi32>
    %slice3A_297 = vector.extract_strided_slice %add3A_15 {offsets = [0, 3200], sizes = [2048, 128], strides = [1, 1]} : vector<2048x4096xf32> to vector<2048x128xf32>
    %slice3A_298 = vector.extract_strided_slice %dot_general3A_5 {offsets = [0, 3200], sizes = [2048, 128], strides = [1, 1]} : vector<2048x4096xf32> to vector<2048x128xf32>
    %sub3A_299 = arith.subf %slice3A_297, %slice3A_298 : vector<2048x128xf32>
    %lt3A_300 = arith.cmpf olt, %sub3A_299, %select_n3A_290 : vector<2048x128xf32>
    %select_n3A_301 = arith.select %lt3A_300, %sub3A_299, %select_n3A_290 : vector<2048x128xi1>, vector<2048x128xf32>
    %mul3A_302 = arith.constant 32 : i32
    %mul3A_303 = arith.muli %arg1, %mul3A_302 : i32
    %add3A_304 = arith.constant 25 : i32
    %add3A_305 = arith.addi %mul3A_303, %add3A_304 : i32
    %broadcast_in_dim3A_306 = vector.broadcast %add3A_305 : i32 to vector<2048x128xi32>
    %select_n3A_307 = arith.select %lt3A_300, %broadcast_in_dim3A_306, %select_n3A_296 : vector<2048x128xi1>, vector<2048x128xi32>
    %slice3A_308 = vector.extract_strided_slice %add3A_15 {offsets = [0, 3328], sizes = [2048, 128], strides = [1, 1]} : vector<2048x4096xf32> to vector<2048x128xf32>
    %slice3A_309 = vector.extract_strided_slice %dot_general3A_5 {offsets = [0, 3328], sizes = [2048, 128], strides = [1, 1]} : vector<2048x4096xf32> to vector<2048x128xf32>
    %sub3A_310 = arith.subf %slice3A_308, %slice3A_309 : vector<2048x128xf32>
    %lt3A_311 = arith.cmpf olt, %sub3A_310, %select_n3A_301 : vector<2048x128xf32>
    %select_n3A_312 = arith.select %lt3A_311, %sub3A_310, %select_n3A_301 : vector<2048x128xi1>, vector<2048x128xf32>
    %mul3A_313 = arith.constant 32 : i32
    %mul3A_314 = arith.muli %arg1, %mul3A_313 : i32
    %add3A_315 = arith.constant 26 : i32
    %add3A_316 = arith.addi %mul3A_314, %add3A_315 : i32
    %broadcast_in_dim3A_317 = vector.broadcast %add3A_316 : i32 to vector<2048x128xi32>
    %select_n3A_318 = arith.select %lt3A_311, %broadcast_in_dim3A_317, %select_n3A_307 : vector<2048x128xi1>, vector<2048x128xi32>
    %slice3A_319 = vector.extract_strided_slice %add3A_15 {offsets = [0, 3456], sizes = [2048, 128], strides = [1, 1]} : vector<2048x4096xf32> to vector<2048x128xf32>
    %slice3A_320 = vector.extract_strided_slice %dot_general3A_5 {offsets = [0, 3456], sizes = [2048, 128], strides = [1, 1]} : vector<2048x4096xf32> to vector<2048x128xf32>
    %sub3A_321 = arith.subf %slice3A_319, %slice3A_320 : vector<2048x128xf32>
    %lt3A_322 = arith.cmpf olt, %sub3A_321, %select_n3A_312 : vector<2048x128xf32>
    %select_n3A_323 = arith.select %lt3A_322, %sub3A_321, %select_n3A_312 : vector<2048x128xi1>, vector<2048x128xf32>
    %mul3A_324 = arith.constant 32 : i32
    %mul3A_325 = arith.muli %arg1, %mul3A_324 : i32
    %add3A_326 = arith.constant 27 : i32
    %add3A_327 = arith.addi %mul3A_325, %add3A_326 : i32
    %broadcast_in_dim3A_328 = vector.broadcast %add3A_327 : i32 to vector<2048x128xi32>
    %select_n3A_329 = arith.select %lt3A_322, %broadcast_in_dim3A_328, %select_n3A_318 : vector<2048x128xi1>, vector<2048x128xi32>
    %slice3A_330 = vector.extract_strided_slice %add3A_15 {offsets = [0, 3584], sizes = [2048, 128], strides = [1, 1]} : vector<2048x4096xf32> to vector<2048x128xf32>
    %slice3A_331 = vector.extract_strided_slice %dot_general3A_5 {offsets = [0, 3584], sizes = [2048, 128], strides = [1, 1]} : vector<2048x4096xf32> to vector<2048x128xf32>
    %sub3A_332 = arith.subf %slice3A_330, %slice3A_331 : vector<2048x128xf32>
    %lt3A_333 = arith.cmpf olt, %sub3A_332, %select_n3A_323 : vector<2048x128xf32>
    %select_n3A_334 = arith.select %lt3A_333, %sub3A_332, %select_n3A_323 : vector<2048x128xi1>, vector<2048x128xf32>
    %mul3A_335 = arith.constant 32 : i32
    %mul3A_336 = arith.muli %arg1, %mul3A_335 : i32
    %add3A_337 = arith.constant 28 : i32
    %add3A_338 = arith.addi %mul3A_336, %add3A_337 : i32
    %broadcast_in_dim3A_339 = vector.broadcast %add3A_338 : i32 to vector<2048x128xi32>
    %select_n3A_340 = arith.select %lt3A_333, %broadcast_in_dim3A_339, %select_n3A_329 : vector<2048x128xi1>, vector<2048x128xi32>
    %slice3A_341 = vector.extract_strided_slice %add3A_15 {offsets = [0, 3712], sizes = [2048, 128], strides = [1, 1]} : vector<2048x4096xf32> to vector<2048x128xf32>
    %slice3A_342 = vector.extract_strided_slice %dot_general3A_5 {offsets = [0, 3712], sizes = [2048, 128], strides = [1, 1]} : vector<2048x4096xf32> to vector<2048x128xf32>
    %sub3A_343 = arith.subf %slice3A_341, %slice3A_342 : vector<2048x128xf32>
    %lt3A_344 = arith.cmpf olt, %sub3A_343, %select_n3A_334 : vector<2048x128xf32>
    %select_n3A_345 = arith.select %lt3A_344, %sub3A_343, %select_n3A_334 : vector<2048x128xi1>, vector<2048x128xf32>
    %mul3A_346 = arith.constant 32 : i32
    %mul3A_347 = arith.muli %arg1, %mul3A_346 : i32
    %add3A_348 = arith.constant 29 : i32
    %add3A_349 = arith.addi %mul3A_347, %add3A_348 : i32
    %broadcast_in_dim3A_350 = vector.broadcast %add3A_349 : i32 to vector<2048x128xi32>
    %select_n3A_351 = arith.select %lt3A_344, %broadcast_in_dim3A_350, %select_n3A_340 : vector<2048x128xi1>, vector<2048x128xi32>
    %slice3A_352 = vector.extract_strided_slice %add3A_15 {offsets = [0, 3840], sizes = [2048, 128], strides = [1, 1]} : vector<2048x4096xf32> to vector<2048x128xf32>
    %slice3A_353 = vector.extract_strided_slice %dot_general3A_5 {offsets = [0, 3840], sizes = [2048, 128], strides = [1, 1]} : vector<2048x4096xf32> to vector<2048x128xf32>
    %sub3A_354 = arith.subf %slice3A_352, %slice3A_353 : vector<2048x128xf32>
    %lt3A_355 = arith.cmpf olt, %sub3A_354, %select_n3A_345 : vector<2048x128xf32>
    %select_n3A_356 = arith.select %lt3A_355, %sub3A_354, %select_n3A_345 : vector<2048x128xi1>, vector<2048x128xf32>
    %mul3A_357 = arith.constant 32 : i32
    %mul3A_358 = arith.muli %arg1, %mul3A_357 : i32
    %add3A_359 = arith.constant 30 : i32
    %add3A_360 = arith.addi %mul3A_358, %add3A_359 : i32
    %broadcast_in_dim3A_361 = vector.broadcast %add3A_360 : i32 to vector<2048x128xi32>
    %select_n3A_362 = arith.select %lt3A_355, %broadcast_in_dim3A_361, %select_n3A_351 : vector<2048x128xi1>, vector<2048x128xi32>
    %slice3A_363 = vector.extract_strided_slice %add3A_15 {offsets = [0, 3968], sizes = [2048, 128], strides = [1, 1]} : vector<2048x4096xf32> to vector<2048x128xf32>
    %slice3A_364 = vector.extract_strided_slice %dot_general3A_5 {offsets = [0, 3968], sizes = [2048, 128], strides = [1, 1]} : vector<2048x4096xf32> to vector<2048x128xf32>
    %sub3A_365 = arith.subf %slice3A_363, %slice3A_364 : vector<2048x128xf32>
    %lt3A_366 = arith.cmpf olt, %sub3A_365, %select_n3A_356 : vector<2048x128xf32>
    %select_n3A_367 = arith.select %lt3A_366, %sub3A_365, %select_n3A_356 : vector<2048x128xi1>, vector<2048x128xf32>
    %mul3A_368 = arith.constant 32 : i32
    %mul3A_369 = arith.muli %arg1, %mul3A_368 : i32
    %add3A_370 = arith.constant 31 : i32
    %add3A_371 = arith.addi %mul3A_369, %add3A_370 : i32
    %broadcast_in_dim3A_372 = vector.broadcast %add3A_371 : i32 to vector<2048x128xi32>
    %select_n3A_373 = arith.select %lt3A_366, %broadcast_in_dim3A_372, %select_n3A_362 : vector<2048x128xi1>, vector<2048x128xi32>
    %swap3A = arith.constant 0 : index
    %swap3A_374 = arith.constant 0 : index
    %swap3A_375 = vector.load %arg6[%swap3A, %swap3A_374] : memref<2048x128xf32, #tpu.memory_space<vmem>>, vector<2048x128xf32>
    tpu.vector_store %arg6[%swap3A, %swap3A_374], %select_n3A_367 {strides = array<i32>} : memref<2048x128xf32, #tpu.memory_space<vmem>>, vector<2048x128xf32>,
    %swap3A_376 = arith.constant 0 : index
    %swap3A_377 = arith.constant 0 : index
    %swap3A_378 = vector.load %arg7[%swap3A_376, %swap3A_377] : memref<2048x128xi32, #tpu.memory_space<vmem>>, vector<2048x128xi32>
    tpu.vector_store %arg7[%swap3A_376, %swap3A_377], %select_n3A_373 {strides = array<i32>} : memref<2048x128xi32, #tpu.memory_space<vmem>>, vector<2048x128xi32>,
    %eq3A_379 = arith.constant 1 : i32
    %eq3A_380 = arith.cmpi eq, %arg1, %eq3A_379 : i32
    %convert_element_type3A = arith.extui %eq3A_380 : i1 to i32
    %cond3A = arith.constant 0 : i32
    %cond3A_381 = arith.cmpi ne, %convert_element_type3A, %cond3A : i32
    scf.if %cond3A_381 {
      %get3A_382 = arith.constant 0 : index
      %get3A_383 = arith.constant 0 : index
      %get3A_384 = vector.load %arg6[%get3A_382, %get3A_383] : memref<2048x128xf32, #tpu.memory_space<vmem>>, vector<2048x128xf32>
      %reduce_min3A = arith.constant dense<0x7F800000> : vector<2048xf32>
      %reduce_min3A_385 = vector.multi_reduction <minimumf>, %get3A_384, %reduce_min3A [1] : vector<2048x128xf32> to vector<2048xf32>
      %broadcast_in_dim3A_386 = vector.shape_cast %reduce_min3A_385 : vector<2048xf32> to vector<2048x1xf32>
      %iota3A = tpu.iota {dimensions = array<i32: 1>} : vector<2048x128xi32>
      %get3A_387 = arith.constant 0 : index
      %get3A_388 = arith.constant 0 : index
      %get3A_389 = vector.load %arg7[%get3A_387, %get3A_388] : memref<2048x128xi32, #tpu.memory_space<vmem>>, vector<2048x128xi32>
      %mul3A_390 = arith.constant 128 : i32
      %mul3A_391 = vector.broadcast %mul3A_390 : i32 to vector<2048x128xi32>
      %mul3A_392 = arith.muli %get3A_389, %mul3A_391 : vector<2048x128xi32>
      %add3A_393 = arith.addi %mul3A_392, %iota3A : vector<2048x128xi32>
      %eq3A_394 = vector.broadcast %broadcast_in_dim3A_386 : vector<2048x1xf32> to vector<2048x128xf32>
      %eq3A_395 = arith.cmpf oeq, %get3A_384, %eq3A_394 : vector<2048x128xf32>
      %jit3A = arith.constant 1073741824 : i32
      %broadcast_in_dim3A_396 = vector.broadcast %jit3A : i32 to vector<2048x128xi32>
      %select_n3A_397 = arith.select %eq3A_395, %add3A_393, %broadcast_in_dim3A_396 : vector<2048x128xi1>, vector<2048x128xi32>
      %reduce_min3A_398 = arith.constant dense<2147483647> : vector<2048xi32>
      %reduce_min3A_399 = vector.multi_reduction <minsi>, %select_n3A_397, %reduce_min3A_398 [1] : vector<2048x128xi32> to vector<2048xi32>
      %broadcast_in_dim3A_400 = vector.shape_cast %reduce_min3A_399 : vector<2048xi32> to vector<2048x1xi32>
      %swap3A_401 = arith.constant 0 : index
      %swap3A_402 = arith.constant 0 : index
      %swap3A_403 = arith.constant 0 : index
      %swap3A_404 = vector.load %arg4[%swap3A_401, %swap3A_402, %swap3A_403] : memref<1x2048x1xi32, #tpu.memory_space<vmem>>, vector<1x2048x1xi32>
      %swap3A_405 = vector.shape_cast %swap3A_404 : vector<1x2048x1xi32> to vector<2048x1xi32>
      %swap3A_406 = vector.shape_cast %broadcast_in_dim3A_400 : vector<2048x1xi32> to vector<1x2048x1xi32>
      tpu.vector_store %arg4[%swap3A_401, %swap3A_402, %swap3A_403], %swap3A_406 {strides = array<i32>} : memref<1x2048x1xi32, #tpu.memory_space<vmem>>, vector<1x2048x1xi32>,
      %reduce_sum3A_407 = vector.shape_cast %broadcast_in_dim3A_386 : vector<2048x1xf32> to vector<1x2048x1xf32>
      %reduce_sum3A_408 = arith.constant dense<0.000000e+00> : vector<1xf32>
      %reduce_sum3A_409 = vector.multi_reduction <add>, %reduce_sum3A_407, %reduce_sum3A_408 [1, 2] : vector<1x2048x1xf32> to vector<1xf32>
      %reduce_sum3A_410 = vector.shape_cast %reduce_sum3A_409 : vector<1xf32> to vector<1x1x1xf32>
      %reduce_sum3A_411 = vector.extract %reduce_sum3A_410[0, 0, 0] : f32 from vector<1x1x1xf32>
      %eq3A_412 = arith.constant 0 : i32
      %eq3A_413 = arith.cmpi eq, %arg0, %eq3A_412 : i32
      %convert_element_type3A_414 = arith.extui %eq3A_413 : i1 to i32
      %cond3A_415 = arith.constant 0 : i32
      %cond3A_416 = arith.cmpi ne, %convert_element_type3A_414, %cond3A_415 : i32
      scf.if %cond3A_416 {
        %swap3A_426 = arith.constant 0 : index
        %swap3A_427 = arith.constant 0 : index
        %swap3A_428 = memref.load %arg5[%swap3A_426, %swap3A_427] : memref<1x1xf32, #tpu.memory_space<smem>>
        memref.store %reduce_sum3A_411, %arg5[%swap3A_426, %swap3A_427] : memref<1x1xf32, #tpu.memory_space<smem>>
      } else {
      }
      %gt3A = arith.constant 0 : i32
      %gt3A_417 = arith.cmpi sgt, %arg0, %gt3A : i32
      %convert_element_type3A_418 = arith.extui %gt3A_417 : i1 to i32
      %cond3A_419 = arith.constant 0 : i32
      %cond3A_420 = arith.cmpi ne, %convert_element_type3A_418, %cond3A_419 : i32
      scf.if %cond3A_420 {
        %get3A_426 = arith.constant 0 : index
        %get3A_427 = arith.constant 0 : index
        %get3A_428 = memref.load %arg5[%get3A_426, %get3A_427] : memref<1x1xf32, #tpu.memory_space<smem>>
        %add3A_429 = arith.addf %get3A_428, %reduce_sum3A_411 : f32
        %swap3A_430 = arith.constant 0 : index
        %swap3A_431 = arith.constant 0 : index
        %swap3A_432 = memref.load %arg5[%swap3A_430, %swap3A_431] : memref<1x1xf32, #tpu.memory_space<smem>>
        memref.store %add3A_429, %arg5[%swap3A_430, %swap3A_431] : memref<1x1xf32, #tpu.memory_space<smem>>
      } else {
      }
      %eq3A_421 = arith.constant 7 : i32
      %eq3A_422 = arith.cmpi eq, %arg0, %eq3A_421 : i32
      %convert_element_type3A_423 = arith.extui %eq3A_422 : i1 to i32
      %cond3A_424 = arith.constant 0 : i32
      %cond3A_425 = arith.cmpi ne, %convert_element_type3A_423, %cond3A_424 : i32
      scf.if %cond3A_425 {
        %get3A_426 = arith.constant 0 : index
        %get3A_427 = arith.constant 0 : index
        %get3A_428 = memref.load %arg5[%get3A_426, %get3A_427] : memref<1x1xf32, #tpu.memory_space<smem>>
        %mul3A_429 = arith.constant 2.86102295E-6 : f32
        %mul3A_430 = arith.mulf %get3A_428, %mul3A_429 : f32
        %swap3A_431 = arith.constant 0 : index
        %swap3A_432 = arith.constant 0 : index
        %swap3A_433 = memref.load %arg5[%swap3A_431, %swap3A_432] : memref<1x1xf32, #tpu.memory_space<smem>>
        memref.store %mul3A_430, %arg5[%swap3A_431, %swap3A_432] : memref<1x1xf32, #tpu.memory_space<smem>>
      } else {
      }
    } else {
    }
    return
  }
  func.func @transform_0(%arg0: i32, %arg1: i32) -> (i32, i32) {
    %c0_i32 = arith.constant 0 : i32
    %c0_i32_0 = arith.constant 0 : i32
    return %arg0, %c0_i32 : i32, i32
  }
  func.func @transform_1(%arg0: i32, %arg1: i32) -> (i32, i32) {
    %c0_i32 = arith.constant 0 : i32
    %c0_i32_0 = arith.constant 0 : i32
    return %c0_i32, %arg1 : i32, i32
  }
  func.func @transform_2(%arg0: i32, %arg1: i32) -> (i32, i32, i32) {
    %c0_i32 = arith.constant 0 : i32
    %c0_i32_0 = arith.constant 0 : i32
    %c0_i32_1 = arith.constant 0 : i32
    return %arg0, %c0_i32, %c0_i32_0 : i32, i32, i32
  }
  func.func @transform_3(%arg0: i32, %arg1: i32) -> (i32, i32) {
    %c0_i32 = arith.constant 0 : i32
    %c0_i32_0 = arith.constant 0 : i32
    %c0_i32_1 = arith.constant 0 : i32
    return %c0_i32, %c0_i32_0 : i32, i32
  }
}

</mosaic_0001>

<sc_bundles>
// kernel: kernel.4.cloned.1.call-start
scs
__scs_entry_jumppad:
0x0: {  	(pc) =	sbr.rel $0x88, $3  }
0x1: {  	(tag) =	ssettag $0x0;
	lr =	simm.s32 $0x1  }
0x2: {  	[smem:$0x3F9F] =	sst lr;
	_ =	strace $0xD0000000  }
0x3: {  	_ = 	snop  }
0x4: {  	_ = 	snop  }
0x5: {  	_ = 	snop  }
0x6: {  	_ = 	snop  }
0x7: {  	_ = 	snop  }
__scs_overlays_trampoline_lowered:
0x8: {  	[smem:$0x3FAE] =	sst s0  }
0x9: {  	[smem:$0x3FAF] =	sst s1  }
0xa: {  	[smem:$0x3FB0] =	sst s2  }
0xb: {  	[smem:$0x3FB1] =	sst s3  }
0xc: {  	[smem:$0x3FB2] =	sst s4  }
0xd: {  	[smem:$0x3FB3] =	sst s5  }
0xe: {  	[smem:$0x3FB4] =	sst s6  }
0xf: {  	[smem:$0x3FB5] =	sst s7  }
0x10: {  	[smem:$0x3FB6] =	sst s8  }
0x11: {  	[smem:$0x3FB7] =	sst s9;
	s0 =	simm.s32 @!p0 $0x0  }
0x12: {  	s1 =	sld [smem:$0x3F9D];
	s0 =	simm.s32 @p0 $0x1  }
0x13: {  	[smem:$0x3FB8] =	sst s0;
	s0 =	simm.s32 @!p1 $0x0  }
0x14: {  	s2 =	sld [smem:$0x3F9C];
	s0 =	simm.s32 @p1 $0x1  }
0x15: {  	[smem:$0x3FB9] =	sst s0;
	s0 =	simm.s32 @!p2 $0x0  }
0x16: {  	s3 =	sld [smem:$0x3FDB];
	s0 =	simm.s32 @p2 $0x1  }
0x17: {  	s4 =	simm.s32 $0x1BF5;
	[smem:$0x3FBB] =	sst s0  }
0x18: {  	s0 =	sld [smem:$0x3F9E];
	_ =	swait.ge [sflag:s4], $0x0  }
0x19: {  	s7 =	sld [smem:$0x3F9F]  }
0x1a: {  	s8 =	sadd.s32 $0xFFFFE003, lr  }
0x1b: {  	s9 =	sadd.s32 $0xFFFFFEF7, lr;
	s5 =	simm.s32 $0xFFFFFFFF;
	p2 =	slt.u32 s8, $0xFFFFF086  }
0x1c: {  	p1 =	slt.u32 s9, $0xF7A;
	s5 =	simm.s32 @!p2 $0x0  }
0x1d: {  	s5 =	simm.s32 @p1 $0x1;
	p0 =	seq.s32 s7, s2  }
0x1e: {  	s7 =	smul.u32 @!p0 $0xF7A, s2;
	p2 =	seq.s32 @!p0 s5, $0x0  }
0x1f: {  	s9 =	smul.u32 $0xF7A, s1;
	s8 =	simm.s32 @!p0 $0x1BF5;
	p2 =	por !p2, p0  }
0x20: {  	[sflag:s8] =	ssyncset.s32 @!p0 $0xFFFFF086;
	s6 =	sadd.s32 @!p0 s3, s7;
	s7 =	simm.s32 @!p0 $0x108  }
0x21: {  	s3 =	sadd.s32 s3, s9;
	s6 =	sadd.s32 @!p0 $0x88, s6;
	s7 =	simm.s32 @p2 $0x1082  }
0x22: {  	[simem:s7], [sflag:s8] =	dma.local @!p0 [hbm:s6], $0xF7A  }
0x23: {  	s9 =	sor.u32 $0xD0000000, s2;
	s6 =	simm.s32 $0x108;
	_ =	swait.ge @!p0 [sflag:s8], $0x0  }
0x24: {  	s3 =	sadd.s32 $0x88, s3;
	s6 =	simm.s32 @!p1 $0x1082;
	[sflag:s4] =	ssyncset.s32 $0xFFFFF086  }
0x25: {  	[simem:s6], [sflag:s4] =	dma.local [hbm:s3], $0xF7A  }
0x26: {  	[smem:$0x3F9F] =	sst s1;
	(tag) =	ssettag s2;
	_ =	strace s9  }
0x27: {  	s1 =	sld [smem:$0x3FAF]  }
0x28: {  	s2 =	sld [smem:$0x3FB0]  }
0x29: {  	s4 =	sld [smem:$0x3FB2]  }
0x2a: {  	p0 =	seq.s32 s5, $0x0;
	s5 =	sld [smem:$0x3FB3]  }
0x2b: {  	s6 =	sld [smem:$0x3FB4]  }
0x2c: {  	s7 =	sld [smem:$0x3FB5]  }
0x2d: {  	s3 =	simm.s32 $0x108;
	s8 =	sld [smem:$0x3FB6]  }
0x2e: {  	s3 =	simm.s32 @!p0 $0x1082;
	s9 =	sld [smem:$0x3FB7]  }
0x2f: {  	lr =	sadd.s32 s0, s3;
	s0 =	sld [smem:$0x3FAE]  }
0x30: {  	s3 =	sld [smem:$0x3FB1]  }
0x31: {  	[smem:$0x3FBA] =	sst s10  }
0x32: {  	s10 =	sld [smem:$0x3FB8];
	_ =	sdelay $0x3  }
0x33: {  	p0 =	seq.s32 s10, $0x1;
	s10 =	sld [smem:$0x3FBA];
	_ =	sdelay $0x3  }
0x34: {  	[smem:$0x3FBA] =	sst s10  }
0x35: {  	s10 =	sld [smem:$0x3FB9];
	_ =	sdelay $0x3  }
0x36: {  	p1 =	seq.s32 s10, $0x1;
	s10 =	sld [smem:$0x3FBA];
	_ =	sdelay $0x3  }
0x37: {  	[smem:$0x3FBA] =	sst s10  }
0x38: {  	s10 =	sld [smem:$0x3FBB]  }
0x39: {  	_ = 	snop;
	(pc) =	sbr.ind lr, $3  }
0x3a: {  	_ = 	snop  }
0x3b: {  	_ = 	snop  }
0x3c: {  	p2 =	seq.s32 s10, $0x1;
	s10 =	sld [smem:$0x3FBA]  }
0x3d: {  	_ =	shalt  }
0x3e: {  	_ =	shalt  }
0x3f: {  	_ =	shalt  }
0x40: {  	_ =	shalt  }
0x41: {  	_ =	shalt  }
0x42: {  	_ =	shalt  }
0x43: {  	_ =	shalt  }
0x44: {  	_ =	shalt  }
0x45: {  	_ =	shalt  }
0x46: {  	_ =	shalt  }
0x47: {  	_ =	shalt  }
0x48: {  	_ =	shalt  }
0x49: {  	_ =	shalt  }
0x4a: {  	_ =	shalt  }
0x4b: {  	_ =	shalt  }
0x4c: {  	_ =	shalt  }
0x4d: {  	_ =	shalt  }
0x4e: {  	_ =	shalt  }
0x4f: {  	_ =	shalt  }
0x50: {  	_ =	shalt  }
0x51: {  	_ =	shalt  }
0x52: {  	_ =	shalt  }
0x53: {  	_ =	shalt  }
0x54: {  	_ =	shalt  }
0x55: {  	_ =	shalt  }
0x56: {  	_ =	shalt  }
0x57: {  	_ =	shalt  }
0x58: {  	_ =	shalt  }
0x59: {  	_ =	shalt  }
0x5a: {  	_ =	shalt  }
0x5b: {  	_ =	shalt  }
0x5c: {  	_ =	shalt  }
0x5d: {  	_ =	shalt  }
0x5e: {  	_ =	shalt  }
0x5f: {  	_ =	shalt  }
0x60: {  	_ =	shalt  }
0x61: {  	_ =	shalt  }
0x62: {  	_ =	shalt  }
0x63: {  	_ =	shalt  }
0x64: {  	_ =	shalt  }
0x65: {  	_ =	shalt  }
0x66: {  	_ =	shalt  }
0x67: {  	_ =	shalt  }
0x68: {  	_ =	shalt  }
0x69: {  	_ =	shalt  }
0x6a: {  	_ =	shalt  }
0x6b: {  	_ =	shalt  }
0x6c: {  	_ =	shalt  }
0x6d: {  	_ =	shalt  }
0x6e: {  	_ =	shalt  }
0x6f: {  	_ =	shalt  }
0x70: {  	_ =	shalt  }
0x71: {  	_ =	shalt  }
0x72: {  	_ =	shalt  }
0x73: {  	_ =	shalt  }
0x74: {  	_ =	shalt  }
0x75: {  	_ =	shalt  }
0x76: {  	_ =	shalt  }
0x77: {  	_ =	shalt  }
0x78: {  	_ =	shalt  }
0x79: {  	_ =	shalt  }
0x7a: {  	_ =	shalt  }
0x7b: {  	_ =	shalt  }
0x7c: {  	_ =	shalt  }
0x7d: {  	_ =	shalt  }
0x7e: {  	_ =	shalt  }
0x7f: {  	_ =	shalt  }
0x80: {  	_ =	shalt  }
0x81: {  	_ =	shalt  }
0x82: {  	_ =	shalt  }
0x83: {  	_ =	shalt  }
0x84: {  	_ =	shalt  }
0x85: {  	_ =	shalt  }
0x86: {  	_ =	shalt  }
0x87: {  	_ =	shalt  }
.Lfunc_end0:
.L_simem_size_0:
called_computation_lowered:
.L_overlay_start_0:
0x88: {  	s2 =	sld [smem:$0x3FD9]  }
0x89: {  	s3 =	sld [smem:$0x3FFE];
	_ =	sdelay $0x1  }
0x8a: {  	s1 =	srdreg.scid  }
0x8b: {  	s0 =	sand.u32 $0x1, s1  }
0x8c: {  	s14 =	sshll.u32 s0, $0xA;
	s2 =	sadd.s32 s3, s2  }
0x8d: {  	s2 =	sadd.s32 s2, s14  }
0x8e: {  	[smem:$0x3FC6] =	sst s2  }
0x8f: {  	_ = 	snop  }
0x90: {  	s2 =	sld [smem:$0x3FD0];
	_ =	sdelay $0x2  }
0x91: {  	s15 =	simm.s32 $0xA;
	s4 =	simm.s32 $0x10  }
0x92: {  	[smem:s4], [sflag:s15] =	dma.local [hbm:s2], $0x1  }
0x93: {  	_ =	swait.eq [sflag:s15], $0x1  }
0x94: {  	[sflag:s15] =	ssyncset.done $0x0  }
0x95: {  	[sflag:s15] =	ssyncadd.s32 $0xFFFFFFFF  }
0x96: {  	s16 =	sld [smem:$0x10];
	(tm) =	ssettm $0x1  }
0x97: {  	s17 =	sld [smem:$0x3FFB];
	_ =	sdelay $0x3  }
0x98: {  	_ =	strace s17  }
0x99: {  	s3 =	sld [smem:$0x3FFC];
	_ =	sdelay $0x3  }
0x9a: {  	_ =	strace s3  }
0x9b: {  	s3 =	sld [smem:$0x3FFD];
	_ =	sdelay $0x3  }
0x9c: {  	_ =	strace s3  }
0x9d: {  	_ =	strace $0x8FFFFFFF  }
0x9e: {  	s18 =	sld [smem:$0x3FDB];
	_ =	sdelay $0x1  }
0x9f: {  	s19 =	simm.s32 $_scs_section_size  }
0xa0: {  	s5 =	simm.s32 $_size__tile_overlayer_lowered;
	s6 =	simm.s32 $_tile_overlayer_lowered  }
0xa1: {  	s22 =	simm.s32 $0x1BFF;
	s21 =	sshll.u32 s6, $0x1;
	s3 =	sadd.s32 s19, s18  }
0xa2: {  	s7 =	simm.s32 $0x0;
	s20 =	sshll.u32 s5, $0x1;
	s5 =	sadd.s32 s21, s3  }
0xa3: {  	[timem:s7], [sflag:s22] =	dma.local [hbm:s5], s20  }
0xa4: {  	_ =	swait.ge [sflag:s22], s20  }
0xa5: {  	s4 =	ssub.s32 $0x0, s20;
	[sflag:s22] =	ssyncset.done $0x0  }
0xa6: {  	[sflag:s22] =	ssyncadd.s32 s4;
	_ =	sdelay $0x1  }
0xa7: {  	s23 =	simm.s32 $0x1B8B  }
0xa8: {  	_ =	swait.ge [sflag:s23], $0x1  }
0xa9: {  	[sflag:s23] =	ssyncset.done $0x0  }
0xaa: {  	s25 =	simm.s32 $0x1B8E;
	s24 =	sld [smem:$0x3FFE];
	[sflag:s23] =	ssyncadd.s32 $0xFFFFFFFF  }
0xab: {  	s26 =	simm.s32 $execute0_lowered;
	[smem:$0x3FD2] =	sst s25  }
0xac: {  	s5 =	sshll.u32 s26, $0x1;
	_ =	strace $0x80000046;
	[dreg:$0x1] =	wrdreg $0xFFFFFFFF  }
0xad: {  	s28 =	simm.s32 $_size_execute0_lowered;
	s3 =	sadd.s32 s3, s5;
	[dreg:$0x0] =	wrdreg $0x0  }
0xae: {  	s5 =	sshll.u32 s28, $0x1;
	[dreg:$0x2] =	wrdreg s3  }
0xaf: {  	[dreg:$0x3] =	wrdreg s5  }
0xb0: {  	[dreg:$0x4] =	wrdreg $0xC0  }
0xb1: {  	_ =	task [dreg:s7], $0x5FFFF  }
0xb2: {  	[dreg:$0x1] =	wrdreg $0xFFFFFFFF  }
0xb3: {  	[dreg:$0x0] =	wrdreg $0x60  }
0xb4: {  	[dreg:$0x2] =	wrdreg s24  }
0xb5: {  	[dreg:$0x3] =	wrdreg s16  }
0xb6: {  	[dreg:$0x4] =	wrdreg $0x9  }
0xb7: {  	_ =	task.clear_ibuf [dreg:s7], $0x5FFFF;
	_ =	strace $0x90000046  }
0xb8: {  	s29 =	simm.s32 $0x9;
	_ =	strace $0x80000048  }
0xb9: {  	_ =	swait.ge [sflag:s29], $0x1  }
0xba: {  	[sflag:s29] =	ssyncadd.s32 $0xFFFFFFFF  }
0xbb: {  	_ =	strace $0x90000048  }
0xbc: {  	_ =	sfence  }
0xbd: {  	s30 =	sld [smem:$0x0];
	_ =	sdelay $0x2  }
0xbe: {  	s31 =	sshll.u32 s1, $0xD;
	s1 =	sshrl.u32 s1, $0x2  }
0xbf: {  	s3 =	sand.u32 $0x4000, s31;
	s1 =	sadd.s32 s1, s30  }
0xc0: {  	s0 =	sor.u32 s3, s0;
	s1 =	sshll.u32 s1, $0x11  }
0xc1: {  	s0 =	sor.u32 s1, s0  }
0xc2: {  	s0 =	sadd.s32 $0x8F2B, s0  }
0xc3: {  	[sflag:s0] =	ssyncadd.remote.s32 $0x1  }
0xc4: {  	_ =	sfence.sel $0xFFFF  }
0xc5: {  	[dreg:$0x0] =	wrdreg $0xFFFFFFFF;
	(pc) =	sbr.abs _section_cstart, $3  }
0xc6: {  	[dreg:$0x1] =	wrdreg $0xFFFFFFFF  }
0xc7: {  	_ =	task.clear_ibuf [dreg:s7], $0x2FFFF;
	_ =	strace $0x9FFFFFFF  }
0xc8: {  	(tm) =	ssettm $0x7FFFFFFF  }
0xc9: {  	_ =	shalt  }
tec
execute0_lowered:
.L_overlay_start_1:
0x0: {  	(tag) =	ssettag $0x1  }
0x1: {  	s1 =	srdreg.scid  }
0x2: {  	s0 =	stileid.u32;
	s14 =	sand.u32 $0x1, s1  }
0x3: {  	s5 =	rddreg [dreg:$0x0];
	s29 =	sshll.u32 s0, $0xA;
	s2 =	sshll.u32 s14, $0x9  }
0x4: {  	s15 =	rddreg [dreg:$0x1];
	s16 =	sor.u32 s2, s29  }
0x5: {  	s1 =	rddreg [dreg:$0x2];
	s2 =	simm.s32 $0x0;
	s3 =	sshrl.u32 s16, $0x3  }
0x6: {  	[smem:$0x7FF] =	sst s2;
	s3 =	sadd.s32 s3, s5  }
0x7: {  	_ =	strace $0x80000047;
	s4 =	sadd.s32 $0x8400, s3;
	s3 =	simm.s32 $0x2  }
0x8: {  	[tilespmem:s2], [sflag:$0x2] =	stream.linear.gather [hbm4b:s4+s2], $0x200, $0x38;
	[tilespmem:$0x4200] =	vst v63  }
0x9: {  	_ =	swait.ge [sflag:s3], $0x200  }
0xa: {  	s6 =	simm.s32 $0x80;
	[sflag:s3] =	ssyncset.done $0x0  }
0xb: {  	s7 =	simm.s32 $0x200;
	s5 =	sadd.s32 $0x400, s5;
	[sflag:s3] =	ssyncadd.s32 $0xFFFFFE00  }
0xc: {  	[tilespmem:s7], [sflag:$0x1] =	stream.indirect.gather [hbm4b:s5+s6], $0x20, s2, s6, $0xb8;
	[tilespmem:$0x4200] =	vst v63  }
0xd: {  	s8 =	simm.s32 $0x1200  }
0xe: {  	[tilespmem:s8], [sflag:$0x1] =	stream.indirect.gather [hbm4b:s5+s6], $0x20, s6, s6, $0xb8;
	[tilespmem:$0x4200] =	vst v63  }
0xf: {  	s9 =	simm.s32 $0x100;
	s10 =	simm.s32 $0x2200  }
0x10: {  	[tilespmem:s10], [sflag:$0x1] =	stream.indirect.gather [hbm4b:s5+s6], $0x20, s9, s6, $0xb8;
	[tilespmem:$0x4200] =	vst v63  }
0x11: {  	s11 =	simm.s32 $0x180;
	s12 =	simm.s32 $0x3200;
	s13 =	simm.s32 $0x1  }
0x12: {  	[tilespmem:s12], [sflag:$0x1] =	stream.indirect.gather [hbm4b:s5+s6], $0x20, s11, s6, $0xb8;
	[tilespmem:$0x4200] =	vst v63  }
0x13: {  	_ =	swait.ge [sflag:s13], $0x1000  }
0x14: {  	[sflag:s13] =	ssyncset.done $0x0  }
0x15: {  	[sflag:s13] =	ssyncadd.s32 $0xFFFFF000  }
0x16: {  	_ =	swait.ge [sflag:s13], $0x1000  }
0x17: {  	[sflag:s13] =	ssyncset.done $0x0  }
0x18: {  	s14 =	ssub.s32 $0x2, s14;
	[sflag:s13] =	ssyncadd.s32 $0xFFFFF000  }
0x19: {  	s17 =	sshrl.u32 s14, $0x1;
	_ =	swait.ge [sflag:s13], $0x1000  }
0x1a: {  	s17 =	ssub.s32 s14, s17;
	[sflag:s13] =	ssyncset.done $0x0  }
0x1b: {  	s31 =	smax.u32 s17, $0x1;
	[sflag:s13] =	ssyncadd.s32 $0xFFFFF000  }
0x1c: {  	p0 =	sne.s32 s31, $0x1;
	_ =	swait.ge [sflag:s13], $0x1000  }
.Ltmp0:
0x1d: {  	s30 =	sshll.u32 s16, $0x2;
	[sflag:s13] =	ssyncset.done $0x0;
	(pc) =	sbr.rel @!p0 .LBB2_2-.Ltmp0, $4  }
0x1e: {  	s14 =	sadd.s32 s15, s30;
	[sflag:s13] =	ssyncadd.s32 $0xFFFFF000  }
0x1f: {  	[hbm4b:s14+s2] =	stream.linear.scatter [tilespmem:s7], [sflag:$0x2], $0x4000, $0x38;
	[tilespmem:$0x4200] =	vst v63  }
0x20: {  	_ =	swait.ge [sflag:s3], $0x4000  }
0x21: {  	s15 =	sadd.s32 $0xFFFFFFFF, s31;
	[sflag:s3] =	ssyncset.done $0x0  }
.LBB2_1:
0x22: {  	p0 =	sne.s32 s15, $0x1;
	s15 =	sadd.s32 $0xFFFFFFFF, s15;
	[sflag:s3] =	ssyncadd.s32 $0xFFFFC000  }
0x23: {  	[tilespmem:s2], [sflag:$0x2] =	stream.linear.gather [hbm4b:s4+s2], $0x200, $0x38;
	[tilespmem:$0x4200] =	vst v63  }
0x24: {  	_ =	swait.ge [sflag:s3], $0x200  }
0x25: {  	[sflag:s3] =	ssyncset.done $0x0  }
0x26: {  	[sflag:s3] =	ssyncadd.s32 $0xFFFFFE00  }
0x27: {  	[tilespmem:s7], [sflag:$0x1] =	stream.indirect.gather [hbm4b:s5+s6], $0x20, s2, s6, $0xb8;
	[tilespmem:$0x4200] =	vst v63  }
0x28: {  	_ = 	snop  }
0x29: {  	[tilespmem:s8], [sflag:$0x1] =	stream.indirect.gather [hbm4b:s5+s6], $0x20, s6, s6, $0xb8;
	[tilespmem:$0x4200] =	vst v63  }
0x2a: {  	_ = 	snop  }
0x2b: {  	[tilespmem:s10], [sflag:$0x1] =	stream.indirect.gather [hbm4b:s5+s6], $0x20, s9, s6, $0xb8;
	[tilespmem:$0x4200] =	vst v63  }
0x2c: {  	_ = 	snop  }
0x2d: {  	[tilespmem:s12], [sflag:$0x1] =	stream.indirect.gather [hbm4b:s5+s6], $0x20, s11, s6, $0xb8;
	[tilespmem:$0x4200] =	vst v63  }
0x2e: {  	_ =	swait.ge [sflag:s13], $0x1000  }
0x2f: {  	[sflag:s13] =	ssyncset.done $0x0  }
0x30: {  	[sflag:s13] =	ssyncadd.s32 $0xFFFFF000  }
0x31: {  	_ =	swait.ge [sflag:s13], $0x1000  }
0x32: {  	[sflag:s13] =	ssyncset.done $0x0  }
0x33: {  	[sflag:s13] =	ssyncadd.s32 $0xFFFFF000  }
0x34: {  	_ =	swait.ge [sflag:s13], $0x1000  }
0x35: {  	[sflag:s13] =	ssyncset.done $0x0  }
0x36: {  	[sflag:s13] =	ssyncadd.s32 $0xFFFFF000  }
0x37: {  	_ =	swait.ge [sflag:s13], $0x1000  }
.Ltmp1:
0x38: {  	[sflag:s13] =	ssyncset.done $0x0;
	(pc) =	sbr.rel @p0 .LBB2_1-.Ltmp1, $4  }
0x39: {  	[sflag:s13] =	ssyncadd.s32 $0xFFFFF000  }
0x3a: {  	[hbm4b:s14+s2] =	stream.linear.scatter [tilespmem:s7], [sflag:$0x2], $0x4000, $0x38;
	[tilespmem:$0x4200] =	vst v63  }
0x3b: {  	_ =	swait.ge [sflag:s3], $0x4000  }
0x3c: {  	[sflag:s3] =	ssyncset.done $0x0  }
.LBB2_2:
0x3d: {  	[sflag:s3] =	ssyncadd.s32 $0xFFFFC000  }
0x3e: {  	_ =	sfence.sel $0x180000  }
0x3f: {  	[bflag:$0x0] =	sbarrier.arrive $0xFFFF  }
0x40: {  	p0 =	sne.s32 s0, $0x0;
	_ =	strace $0x90000047  }
0x41: {  	s0 =	sadd.s32 @!p0 $0x100000, s1;
	[bflag:$0x2] =	sbarrier.arrive $0xFFFF  }
0x42: {  	[sflag:s0] =	ssyncadd.tile.s32 @!p0 $0x1;
	_ =	shalt  }
.Lfunc_end2:
_tile_overlayer_lowered:
.L_overlay_start_2:
0x43: {  	(tag) =	ssettag $0x2  }
0x44: {  	s0 =	rddreg [dreg:$0x0];
	s2 =	stileid.u32  }
0x45: {  	s1 =	rddreg [dreg:$0x1];
	p0 =	sne.s32 s2, $0x0  }
0x46: {  	s3 =	rddreg [dreg:$0x2];
	[bflag:$0x3] =	sbarrier.arrive $0xFFFF;
	s2 =	simm.s32 @!p0 $0x1C02  }
0x47: {  	[timem:s3], [sflag:s2] =	dma.local @!p0 [hbm:s0], s1  }
0x48: {  	s0 =	simm.s32 @!p0 $0x2  }
0x49: {  	_ =	swait.ge @!p0 [sflag:s0], s1  }
0x4a: {  	s1 =	ssub.s32 @!p0 $0x0, s1;
	[sflag:s0] =	ssyncset.done @!p0 $0x0  }
0x4b: {  	[sflag:s0] =	ssyncadd.s32 @!p0 s1  }
0x4c: {  	[bflag:$0x3] =	sbarrier.arrive $0xFFFF  }
0x4d: {  	_ =	shalt  }

</sc_bundles>
